<compile_context>
chip_gen: v7x
topology: tpu7x:2x2x1
jax: 0.10.2.dev20260603
libtpu: 0.0.44.dev20260713+nightly
codegen_flags: <defaults>
</compile_context>

<pallas_src>
import jax
import jax.numpy as jnp
from jax import lax
from jax.experimental import pallas as pl
from jax.experimental.pallas import tpu as pltpu
from jax.experimental.pallas import tpu_sc as plsc

C, W, B, D = 128, 1024, 4, 64
TD, TW = D // 8, W // 128
ROWS_PER_SLAB = TD * TW * 8
SLAB = ROWS_PER_SLAB * 128
N_SLABS = C * B
N_WORDS = N_SLABS * SLAB
NC, NS = 2, 16
N_WORKERS = NC * NS
CS_PER_WORKER = C // N_WORKERS
CHUNK_ROWS = 64
CHUNK = CHUNK_ROWS * 128
CHUNKS_PER_C = B * SLAB // CHUNK


def _sc_body(x_hbm, ww_hbm, wcs_hbm, o_hbm, pos_v, wcs_v,
             xb0, xb1, ob0, ob1, si0, si1, so0, so1):
    wid = lax.axis_index("s") * NC + lax.axis_index("c")
    xbufs, obufs = (xb0, xb1), (ob0, ob1)
    isems, osems = (si0, si1), (so0, so1)

    def c_body(q, carry):
        cc = wid * CS_PER_WORKER + q
        pltpu.sync_copy(ww_hbm, pos_v)
        pltpu.sync_copy(wcs_hbm.at[pl.ds(cc * 1024, 1024)], wcs_v)

        def build_row(ri, carry2):
            d = (ri // (TW * 8)) * 8 + (ri % 8)
            spl = wcs_v[pl.ds((d // 8) * 128 + (d % 8) * 16, 16)]
            base = ri * 128
            for k in range(8):
                sl = pl.ds(base + k * 16, 16)
                pos_v[sl] = pos_v[sl] + spl
            return carry2

        lax.fori_loop(0, ROWS_PER_SLAB, build_row, 0, unroll=4)

        region = cc * B * SLAB
        for p in (0, 1):
            pltpu.async_copy(
                x_hbm.at[pl.ds(region + p * CHUNK, CHUNK)], xbufs[p], isems[p]
            )

        def pair_body(j, carry2):
            for p in (0, 1):
                i = j * 2 + p
                base = region + i * CHUNK
                pbase = (i % (SLAB // CHUNK)) * CHUNK
                xb, ob = xbufs[p], obufs[p]
                pltpu.make_async_copy(
                    x_hbm.at[pl.ds(base, CHUNK)], xb, isems[p]
                ).wait()

                @pl.when(j > 0)
                def _():
                    pltpu.make_async_copy(
                        ob, o_hbm.at[pl.ds(base, CHUNK)], osems[p]
                    ).wait()

                def vec_body(v, carry3):
                    sl = pl.ds(v * 16, 16)
                    ob[sl] = xb[sl] + pos_v[pl.ds(pbase + v * 16, 16)]
                    return carry3

                lax.fori_loop(0, CHUNK // 16, vec_body, 0, unroll=8)
                pltpu.async_copy(xb, o_hbm.at[pl.ds(base, CHUNK)], osems[p])

                @pl.when(i + 2 < CHUNKS_PER_C)
                def _():
                    pltpu.async_copy(
                        x_hbm.at[pl.ds(base + 2 * CHUNK, CHUNK)], xb, isems[p]
                    )

            return carry2

        lax.fori_loop(0, CHUNKS_PER_C // 2, pair_body, 0)
        for p in (0, 1):
            pltpu.make_async_copy(
                obufs[p], o_hbm.at[pl.ds(region, CHUNK)], osems[p]
            ).wait()
        return carry

    lax.fori_loop(0, CS_PER_WORKER, c_body, 0)


def _to_rows(a4):
    a6 = a4.reshape(C, B, TD, 8, TW, 128).transpose(0, 1, 2, 4, 3, 5)
    return a6.reshape(N_WORDS)


def _from_rows(r):
    a6 = r.reshape(C, B, TD, TW, 8, 128).transpose(0, 1, 2, 4, 3, 5)
    a4 = a6.reshape(C, B, D, W)
    return a4.transpose(0, 3, 1, 2)


def kernel(input_embeddings, W_word, W_char):
    x_t = jnp.transpose(input_embeddings, (0, 2, 3, 1))
    x2 = _to_rows(x_t)
    ww_t = W_word.T
    ww2 = (
        ww_t.reshape(TD, 8, TW, 128).transpose(0, 2, 1, 3).reshape(SLAB)
    )
    wcs2 = jnp.repeat(W_char, 16, axis=1).reshape(C * 1024)

    mesh = plsc.VectorSubcoreMesh(core_axis_name="c", subcore_axis_name="s")
    run = pl.kernel(
        _sc_body,
        mesh=mesh,
        out_type=jax.ShapeDtypeStruct((N_WORDS,), jnp.float32),
        scratch_types=[
            pltpu.VMEM((SLAB,), jnp.float32),
            pltpu.VMEM((1024,), jnp.float32),
            pltpu.VMEM((CHUNK,), jnp.float32),
            pltpu.VMEM((CHUNK,), jnp.float32),
            pltpu.VMEM((CHUNK,), jnp.float32),
            pltpu.VMEM((CHUNK,), jnp.float32),
            pltpu.SemaphoreType.DMA,
            pltpu.SemaphoreType.DMA,
            pltpu.SemaphoreType.DMA,
            pltpu.SemaphoreType.DMA,
        ],
    )
    out2 = run(x2, ww2, wcs2)
    return _from_rows(out2)

# --- scband reference (transcript-rebuilt; emitter-appended) ---
"""Pipeline reference for scband-position-embedder-72748156060139 (READ-ONLY COPY).

The authoritative reference and input builder live on the scoring server;
editing this copy changes nothing except your own understanding.
"""

import jax, jax.numpy as jnp
import numpy as np

EMBED_DIM = 64
MAX_NUM_WORD = 1024
MAX_CHAR_PER_WORD = 128
SHAPE = (128, 1024, 4, 64)

def setup_inputs(seed: int = 0) -> dict:
    key = jax.random.key(seed)
    k1, k2, k3 = jax.random.split(key, 3)
    input_embeddings = jax.random.normal(k1, SHAPE, dtype=jnp.float32)
    # learned parameters: position embedding tables (torch nn.Embedding default init ~ N(0,1))
    W_word = jax.random.normal(k2, (MAX_NUM_WORD, EMBED_DIM), dtype=jnp.float32)
    W_char = jax.random.normal(k3, (MAX_CHAR_PER_WORD, EMBED_DIM), dtype=jnp.float32)
    return {"input_embeddings": input_embeddings, "W_word": W_word, "W_char": W_char}

def reference(input_embeddings, W_word, W_char):
    # positions_word = embedding_word(arange(shape[1]))
    positions_word_idx = jnp.arange(input_embeddings.shape[1])
    positions_word = jnp.take(W_word, positions_word_idx, axis=0)
    out = input_embeddings + positions_word[None, :, None, :]
    # positions_char = embedding_char(arange(shape[0]))
    positions_char_idx = jnp.arange(input_embeddings.shape[0])
    positions_char = jnp.take(W_char, positions_char_idx, axis=0)
    out = out + positions_char[:, None, None, :]
    return out

if __name__ == "__main__":
    import jax
    _d = setup_inputs()
    print(jax.jit(kernel)(*tuple(_d.values())))

</pallas_src>

<mosaic_0001>
#map = affine_map<(d0, d1) -> (0)>
module attributes {stable_mosaic.version = 14 : i64} {
  func.func @_sc_body(%arg0: i32, %arg1: i32, %arg2: memref<33554432xf32, #tpu.memory_space<hbm>>, %arg3: memref<65536xf32, #tpu.memory_space<hbm>>, %arg4: memref<131072xf32, #tpu.memory_space<hbm>>, %arg5: memref<33554432xf32, #tpu.memory_space<hbm>>, %arg6: memref<65536xf32, #tpu.memory_space<vmem>>, %arg7: memref<1024xf32, #tpu.memory_space<vmem>>, %arg8: memref<8192xf32, #tpu.memory_space<vmem>>, %arg9: memref<8192xf32, #tpu.memory_space<vmem>>, %arg10: memref<8192xf32, #tpu.memory_space<vmem>>, %arg11: memref<8192xf32, #tpu.memory_space<vmem>>, %arg12: memref<!tpu.dma_semaphore, #tpu.memory_space<semaphore_mem>>, %arg13: memref<!tpu.dma_semaphore, #tpu.memory_space<semaphore_mem>>, %arg14: memref<!tpu.dma_semaphore, #tpu.memory_space<semaphore_mem>>, %arg15: memref<!tpu.dma_semaphore, #tpu.memory_space<semaphore_mem>>) attributes {dimension_semantics = [#tpu.dimension_semantics<core_parallel>, #tpu.dimension_semantics<subcore_parallel>], iteration_bounds = array<i64: 2, 16>, scalar_prefetch = 0 : i64, scratch_operands = 10 : i64, tpu.core_type = #tpu.core_type<sc_vector_subcore>, window_params = [{transform_indices = #map}, {transform_indices = #map}, {transform_indices = #map}, {transform_indices = #map}]} {
    %mul3A = arith.constant 2 : i32
    %mul3A_0 = arith.muli %arg1, %mul3A : i32
    %add3A = arith.addi %mul3A_0, %arg0 : i32
    %scan3A = arith.constant 0 : i32
    %scan3A_1 = arith.constant 0 : i32
    %scan3A_2 = arith.constant 4 : i32
    %scan3A_3 = arith.addi %scan3A_1, %scan3A_2 : i32
    %scan3A_4 = arith.constant 1 : i32
    scf.for %scan3A_6 = %scan3A_1 to %scan3A_3 step %scan3A_4  : i32 {
      %mul3A_7 = arith.constant 4 : i32
      %mul3A_8 = arith.muli %add3A, %mul3A_7 : i32
      %add3A_9 = arith.addi %mul3A_8, %scan3A_6 : i32
      "tpu.region"() ({
        %run_scoped3A = tpu.sem_alloc : memref<!tpu.dma_semaphore, #tpu.memory_space<semaphore_mem>>
        tpu.enqueue_dma source(%arg3 : memref<65536xf32, #tpu.memory_space<hbm>>) target(%arg6 : memref<65536xf32, #tpu.memory_space<vmem>>) target_semaphore(%run_scoped3A : memref<!tpu.dma_semaphore, #tpu.memory_space<semaphore_mem>>)
        tpu.wait_dma2 semaphore(%run_scoped3A : memref<!tpu.dma_semaphore, #tpu.memory_space<semaphore_mem>>) src(%arg3 : memref<65536xf32, #tpu.memory_space<hbm>>) dst(%arg6 : memref<65536xf32, #tpu.memory_space<vmem>>)
        tpu.yield
      }) : () -> ()
      %mul3A_10 = arith.constant 1024 : i32
      %mul3A_11 = arith.muli %add3A_9, %mul3A_10 : i32
      "tpu.region"() ({
        %run_scoped3A = tpu.sem_alloc : memref<!tpu.dma_semaphore, #tpu.memory_space<semaphore_mem>>
        %dma_start3A_38 = tpu.memref_slice %arg4[%mul3A_11] : memref<131072xf32, #tpu.memory_space<hbm>> -> memref<1024xf32, #tpu.memory_space<hbm>>
        %dma_start3A_39 = tpu.memref_slice %arg4[%mul3A_11] : memref<131072xf32, #tpu.memory_space<hbm>> -> memref<1024xf32, #tpu.memory_space<hbm>>
        tpu.enqueue_dma source(%dma_start3A_39 : memref<1024xf32, #tpu.memory_space<hbm>>) target(%arg7 : memref<1024xf32, #tpu.memory_space<vmem>>) target_semaphore(%run_scoped3A : memref<!tpu.dma_semaphore, #tpu.memory_space<semaphore_mem>>)
        %dma_wait3A_40 = tpu.memref_slice %arg4[%mul3A_11] : memref<131072xf32, #tpu.memory_space<hbm>> -> memref<1024xf32, #tpu.memory_space<hbm>>
        %dma_wait3A_41 = tpu.memref_slice %arg4[%mul3A_11] : memref<131072xf32, #tpu.memory_space<hbm>> -> memref<1024xf32, #tpu.memory_space<hbm>>
        tpu.wait_dma2 semaphore(%run_scoped3A : memref<!tpu.dma_semaphore, #tpu.memory_space<semaphore_mem>>) src(%dma_wait3A_41 : memref<1024xf32, #tpu.memory_space<hbm>>) dst(%arg7 : memref<1024xf32, #tpu.memory_space<vmem>>)
        tpu.yield
      }) : () -> ()
      %scan3A_12 = arith.constant 0 : i32
      %scan3A_13 = arith.constant 0 : i32
      %scan3A_14 = arith.constant 512 : i32
      %scan3A_15 = arith.addi %scan3A_13, %scan3A_14 : i32
      %scan3A_16 = arith.constant 4 : i32
      scf.for %scan3A_38 = %scan3A_13 to %scan3A_15 step %scan3A_16  : i32 {
        %jit3A = arith.constant 64 : i32
        %div3A = arith.divsi %scan3A_38, %jit3A : i32
        %sign3A = arith.constant 0 : i32
        %sign3A_39 = arith.cmpi sgt, %scan3A_38, %sign3A : i32
        %sign3A_40 = arith.extui %sign3A_39 : i1 to i32
        %sign3A_41 = arith.constant 0 : i32
        %sign3A_42 = arith.cmpi slt, %scan3A_38, %sign3A_41 : i32
        %sign3A_43 = arith.extui %sign3A_42 : i1 to i32
        %sign3A_44 = arith.subi %sign3A_40, %sign3A_43 : i32
        %sign3A_45 = arith.constant 0 : i32
        %sign3A_46 = arith.cmpi sgt, %jit3A, %sign3A_45 : i32
        %sign3A_47 = arith.extui %sign3A_46 : i1 to i32
        %sign3A_48 = arith.constant 0 : i32
        %sign3A_49 = arith.cmpi slt, %jit3A, %sign3A_48 : i32
        %sign3A_50 = arith.extui %sign3A_49 : i1 to i32
        %sign3A_51 = arith.subi %sign3A_47, %sign3A_50 : i32
        %ne3A = arith.cmpi ne, %sign3A_44, %sign3A_51 : i32
        %rem3A = arith.remsi %scan3A_38, %jit3A : i32
        %ne3A_52 = arith.constant 0 : i32
        %ne3A_53 = arith.cmpi ne, %rem3A, %ne3A_52 : i32
        %and3A = arith.andi %ne3A, %ne3A_53 : i1
        %sub3A = arith.constant 1 : i32
        %sub3A_54 = arith.subi %div3A, %sub3A : i32
        %select_n3A = arith.select %and3A, %sub3A_54, %div3A : i32
        %mul3A_55 = arith.constant 8 : i32
        %mul3A_56 = arith.muli %select_n3A, %mul3A_55 : i32
        %jit3A_57 = arith.constant 8 : i32
        %eq3A = arith.constant 0 : i32
        %eq3A_58 = arith.cmpi eq, %jit3A_57, %eq3A : i32
        %jit3A_59 = arith.constant 1 : i32
        %select_n3A_60 = arith.select %eq3A_58, %jit3A_59, %jit3A_57 : i32
        %rem3A_61 = arith.remsi %scan3A_38, %select_n3A_60 : i32
        %ne3A_62 = arith.constant 0 : i32
        %ne3A_63 = arith.cmpi ne, %rem3A_61, %ne3A_62 : i32
        %lt3A = arith.constant 0 : i32
        %lt3A_64 = arith.cmpi slt, %rem3A_61, %lt3A : i32
        %lt3A_65 = arith.constant 0 : i32
        %lt3A_66 = arith.cmpi slt, %select_n3A_60, %lt3A_65 : i32
        %ne3A_67 = arith.xori %lt3A_64, %lt3A_66 : i1
        %and3A_68 = arith.andi %ne3A_67, %ne3A_63 : i1
        %add3A_69 = arith.addi %rem3A_61, %select_n3A_60 : i32
        %select_n3A_70 = arith.select %and3A_68, %add3A_69, %rem3A_61 : i32
        %add3A_71 = arith.addi %mul3A_56, %select_n3A_70 : i32
        %jit3A_72 = arith.constant 8 : i32
        %div3A_73 = arith.divsi %add3A_71, %jit3A_72 : i32
        %sign3A_74 = arith.constant 0 : i32
        %sign3A_75 = arith.cmpi sgt, %add3A_71, %sign3A_74 : i32
        %sign3A_76 = arith.extui %sign3A_75 : i1 to i32
        %sign3A_77 = arith.constant 0 : i32
        %sign3A_78 = arith.cmpi slt, %add3A_71, %sign3A_77 : i32
        %sign3A_79 = arith.extui %sign3A_78 : i1 to i32
        %sign3A_80 = arith.subi %sign3A_76, %sign3A_79 : i32
        %sign3A_81 = arith.constant 0 : i32
        %sign3A_82 = arith.cmpi sgt, %jit3A_72, %sign3A_81 : i32
        %sign3A_83 = arith.extui %sign3A_82 : i1 to i32
        %sign3A_84 = arith.constant 0 : i32
        %sign3A_85 = arith.cmpi slt, %jit3A_72, %sign3A_84 : i32
        %sign3A_86 = arith.extui %sign3A_85 : i1 to i32
        %sign3A_87 = arith.subi %sign3A_83, %sign3A_86 : i32
        %ne3A_88 = arith.cmpi ne, %sign3A_80, %sign3A_87 : i32
        %rem3A_89 = arith.remsi %add3A_71, %jit3A_72 : i32
        %ne3A_90 = arith.constant 0 : i32
        %ne3A_91 = arith.cmpi ne, %rem3A_89, %ne3A_90 : i32
        %and3A_92 = arith.andi %ne3A_88, %ne3A_91 : i1
        %sub3A_93 = arith.constant 1 : i32
        %sub3A_94 = arith.subi %div3A_73, %sub3A_93 : i32
        %select_n3A_95 = arith.select %and3A_92, %sub3A_94, %div3A_73 : i32
        %mul3A_96 = arith.constant 128 : i32
        %mul3A_97 = arith.muli %select_n3A_95, %mul3A_96 : i32
        %jit3A_98 = arith.constant 8 : i32
        %eq3A_99 = arith.constant 0 : i32
        %eq3A_100 = arith.cmpi eq, %jit3A_98, %eq3A_99 : i32
        %jit3A_101 = arith.constant 1 : i32
        %select_n3A_102 = arith.select %eq3A_100, %jit3A_101, %jit3A_98 : i32
        %rem3A_103 = arith.remsi %add3A_71, %select_n3A_102 : i32
        %ne3A_104 = arith.constant 0 : i32
        %ne3A_105 = arith.cmpi ne, %rem3A_103, %ne3A_104 : i32
        %lt3A_106 = arith.constant 0 : i32
        %lt3A_107 = arith.cmpi slt, %rem3A_103, %lt3A_106 : i32
        %lt3A_108 = arith.constant 0 : i32
        %lt3A_109 = arith.cmpi slt, %select_n3A_102, %lt3A_108 : i32
        %ne3A_110 = arith.xori %lt3A_107, %lt3A_109 : i1
        %and3A_111 = arith.andi %ne3A_110, %ne3A_105 : i1
        %add3A_112 = arith.addi %rem3A_103, %select_n3A_102 : i32
        %select_n3A_113 = arith.select %and3A_111, %add3A_112, %rem3A_103 : i32
        %mul3A_114 = arith.constant 16 : i32
        %mul3A_115 = arith.muli %select_n3A_113, %mul3A_114 : i32
        %add3A_116 = arith.addi %mul3A_97, %mul3A_115 : i32
        %get3A = arith.index_cast %add3A_116 : i32 to index
        %get3A_117 = tpu.vector_load %arg7[%get3A] {strides = array<i32>} : memref<1024xf32, #tpu.memory_space<vmem>>, vector<16xf32>,
        %get3A_118 = vector.shape_cast %get3A_117 : vector<16xf32> to vector<16xf32>
        %mul3A_119 = arith.constant 128 : i32
        %mul3A_120 = arith.muli %scan3A_38, %mul3A_119 : i32
        %add3A_121 = arith.constant 0 : i32
        %add3A_122 = arith.addi %mul3A_120, %add3A_121 : i32
        %get3A_123 = arith.index_cast %add3A_122 : i32 to index
        %get3A_124 = tpu.vector_load %arg6[%get3A_123] {strides = array<i32>} : memref<65536xf32, #tpu.memory_space<vmem>>, vector<16xf32>,
        %get3A_125 = vector.shape_cast %get3A_124 : vector<16xf32> to vector<16xf32>
        %add3A_126 = arith.addf %get3A_125, %get3A_118 : vector<16xf32>
        %swap3A = arith.index_cast %add3A_122 : i32 to index
        %swap3A_127 = tpu.vector_load %arg6[%swap3A] {strides = array<i32>} : memref<65536xf32, #tpu.memory_space<vmem>>, vector<16xf32>,
        %swap3A_128 = vector.shape_cast %swap3A_127 : vector<16xf32> to vector<16xf32>
        %swap3A_129 = vector.shape_cast %add3A_126 : vector<16xf32> to vector<16xf32>
        tpu.vector_store %arg6[%swap3A], %swap3A_129 {strides = array<i32>} : memref<65536xf32, #tpu.memory_space<vmem>>, vector<16xf32>,
        %add3A_130 = arith.constant 16 : i32
        %add3A_131 = arith.addi %mul3A_120, %add3A_130 : i32
        %get3A_132 = arith.index_cast %add3A_131 : i32 to index
        %get3A_133 = tpu.vector_load %arg6[%get3A_132] {strides = array<i32>} : memref<65536xf32, #tpu.memory_space<vmem>>, vector<16xf32>,
        %get3A_134 = vector.shape_cast %get3A_133 : vector<16xf32> to vector<16xf32>
        %add3A_135 = arith.addf %get3A_134, %get3A_118 : vector<16xf32>
        %swap3A_136 = arith.index_cast %add3A_131 : i32 to index
        %swap3A_137 = tpu.vector_load %arg6[%swap3A_136] {strides = array<i32>} : memref<65536xf32, #tpu.memory_space<vmem>>, vector<16xf32>,
        %swap3A_138 = vector.shape_cast %swap3A_137 : vector<16xf32> to vector<16xf32>
        %swap3A_139 = vector.shape_cast %add3A_135 : vector<16xf32> to vector<16xf32>
        tpu.vector_store %arg6[%swap3A_136], %swap3A_139 {strides = array<i32>} : memref<65536xf32, #tpu.memory_space<vmem>>, vector<16xf32>,
        %add3A_140 = arith.constant 32 : i32
        %add3A_141 = arith.addi %mul3A_120, %add3A_140 : i32
        %get3A_142 = arith.index_cast %add3A_141 : i32 to index
        %get3A_143 = tpu.vector_load %arg6[%get3A_142] {strides = array<i32>} : memref<65536xf32, #tpu.memory_space<vmem>>, vector<16xf32>,
        %get3A_144 = vector.shape_cast %get3A_143 : vector<16xf32> to vector<16xf32>
        %add3A_145 = arith.addf %get3A_144, %get3A_118 : vector<16xf32>
        %swap3A_146 = arith.index_cast %add3A_141 : i32 to index
        %swap3A_147 = tpu.vector_load %arg6[%swap3A_146] {strides = array<i32>} : memref<65536xf32, #tpu.memory_space<vmem>>, vector<16xf32>,
        %swap3A_148 = vector.shape_cast %swap3A_147 : vector<16xf32> to vector<16xf32>
        %swap3A_149 = vector.shape_cast %add3A_145 : vector<16xf32> to vector<16xf32>
        tpu.vector_store %arg6[%swap3A_146], %swap3A_149 {strides = array<i32>} : memref<65536xf32, #tpu.memory_space<vmem>>, vector<16xf32>,
        %add3A_150 = arith.constant 48 : i32
        %add3A_151 = arith.addi %mul3A_120, %add3A_150 : i32
        %get3A_152 = arith.index_cast %add3A_151 : i32 to index
        %get3A_153 = tpu.vector_load %arg6[%get3A_152] {strides = array<i32>} : memref<65536xf32, #tpu.memory_space<vmem>>, vector<16xf32>,
        %get3A_154 = vector.shape_cast %get3A_153 : vector<16xf32> to vector<16xf32>
        %add3A_155 = arith.addf %get3A_154, %get3A_118 : vector<16xf32>
        %swap3A_156 = arith.index_cast %add3A_151 : i32 to index
        %swap3A_157 = tpu.vector_load %arg6[%swap3A_156] {strides = array<i32>} : memref<65536xf32, #tpu.memory_space<vmem>>, vector<16xf32>,
        %swap3A_158 = vector.shape_cast %swap3A_157 : vector<16xf32> to vector<16xf32>
        %swap3A_159 = vector.shape_cast %add3A_155 : vector<16xf32> to vector<16xf32>
        tpu.vector_store %arg6[%swap3A_156], %swap3A_159 {strides = array<i32>} : memref<65536xf32, #tpu.memory_space<vmem>>, vector<16xf32>,
        %add3A_160 = arith.constant 64 : i32
        %add3A_161 = arith.addi %mul3A_120, %add3A_160 : i32
        %get3A_162 = arith.index_cast %add3A_161 : i32 to index
        %get3A_163 = tpu.vector_load %arg6[%get3A_162] {strides = array<i32>} : memref<65536xf32, #tpu.memory_space<vmem>>, vector<16xf32>,
        %get3A_164 = vector.shape_cast %get3A_163 : vector<16xf32> to vector<16xf32>
        %add3A_165 = arith.addf %get3A_164, %get3A_118 : vector<16xf32>
        %swap3A_166 = arith.index_cast %add3A_161 : i32 to index
        %swap3A_167 = tpu.vector_load %arg6[%swap3A_166] {strides = array<i32>} : memref<65536xf32, #tpu.memory_space<vmem>>, vector<16xf32>,
        %swap3A_168 = vector.shape_cast %swap3A_167 : vector<16xf32> to vector<16xf32>
        %swap3A_169 = vector.shape_cast %add3A_165 : vector<16xf32> to vector<16xf32>
        tpu.vector_store %arg6[%swap3A_166], %swap3A_169 {strides = array<i32>} : memref<65536xf32, #tpu.memory_space<vmem>>, vector<16xf32>,
        %add3A_170 = arith.constant 80 : i32
        %add3A_171 = arith.addi %mul3A_120, %add3A_170 : i32
        %get3A_172 = arith.index_cast %add3A_171 : i32 to index
        %get3A_173 = tpu.vector_load %arg6[%get3A_172] {strides = array<i32>} : memref<65536xf32, #tpu.memory_space<vmem>>, vector<16xf32>,
        %get3A_174 = vector.shape_cast %get3A_173 : vector<16xf32> to vector<16xf32>
        %add3A_175 = arith.addf %get3A_174, %get3A_118 : vector<16xf32>
        %swap3A_176 = arith.index_cast %add3A_171 : i32 to index
        %swap3A_177 = tpu.vector_load %arg6[%swap3A_176] {strides = array<i32>} : memref<65536xf32, #tpu.memory_space<vmem>>, vector<16xf32>,
        %swap3A_178 = vector.shape_cast %swap3A_177 : vector<16xf32> to vector<16xf32>
        %swap3A_179 = vector.shape_cast %add3A_175 : vector<16xf32> to vector<16xf32>
        tpu.vector_store %arg6[%swap3A_176], %swap3A_179 {strides = array<i32>} : memref<65536xf32, #tpu.memory_space<vmem>>, vector<16xf32>,
        %add3A_180 = arith.constant 96 : i32
        %add3A_181 = arith.addi %mul3A_120, %add3A_180 : i32
        %get3A_182 = arith.index_cast %add3A_181 : i32 to index
        %get3A_183 = tpu.vector_load %arg6[%get3A_182] {strides = array<i32>} : memref<65536xf32, #tpu.memory_space<vmem>>, vector<16xf32>,
        %get3A_184 = vector.shape_cast %get3A_183 : vector<16xf32> to vector<16xf32>
        %add3A_185 = arith.addf %get3A_184, %get3A_118 : vector<16xf32>
        %swap3A_186 = arith.index_cast %add3A_181 : i32 to index
        %swap3A_187 = tpu.vector_load %arg6[%swap3A_186] {strides = array<i32>} : memref<65536xf32, #tpu.memory_space<vmem>>, vector<16xf32>,
        %swap3A_188 = vector.shape_cast %swap3A_187 : vector<16xf32> to vector<16xf32>
        %swap3A_189 = vector.shape_cast %add3A_185 : vector<16xf32> to vector<16xf32>
        tpu.vector_store %arg6[%swap3A_186], %swap3A_189 {strides = array<i32>} : memref<65536xf32, #tpu.memory_space<vmem>>, vector<16xf32>,
        %add3A_190 = arith.constant 112 : i32
        %add3A_191 = arith.addi %mul3A_120, %add3A_190 : i32
        %get3A_192 = arith.index_cast %add3A_191 : i32 to index
        %get3A_193 = tpu.vector_load %arg6[%get3A_192] {strides = array<i32>} : memref<65536xf32, #tpu.memory_space<vmem>>, vector<16xf32>,
        %get3A_194 = vector.shape_cast %get3A_193 : vector<16xf32> to vector<16xf32>
        %add3A_195 = arith.addf %get3A_194, %get3A_118 : vector<16xf32>
        %swap3A_196 = arith.index_cast %add3A_191 : i32 to index
        %swap3A_197 = tpu.vector_load %arg6[%swap3A_196] {strides = array<i32>} : memref<65536xf32, #tpu.memory_space<vmem>>, vector<16xf32>,
        %swap3A_198 = vector.shape_cast %swap3A_197 : vector<16xf32> to vector<16xf32>
        %swap3A_199 = vector.shape_cast %add3A_195 : vector<16xf32> to vector<16xf32>
        tpu.vector_store %arg6[%swap3A_196], %swap3A_199 {strides = array<i32>} : memref<65536xf32, #tpu.memory_space<vmem>>, vector<16xf32>,
        %scan3A_200 = arith.constant 1 : i32
        %scan3A_201 = arith.addi %scan3A_38, %scan3A_200 : i32
        %jit3A_202 = arith.constant 64 : i32
        %div3A_203 = arith.divsi %scan3A_201, %jit3A_202 : i32
        %sign3A_204 = arith.constant 0 : i32
        %sign3A_205 = arith.cmpi sgt, %scan3A_201, %sign3A_204 : i32
        %sign3A_206 = arith.extui %sign3A_205 : i1 to i32
        %sign3A_207 = arith.constant 0 : i32
        %sign3A_208 = arith.cmpi slt, %scan3A_201, %sign3A_207 : i32
        %sign3A_209 = arith.extui %sign3A_208 : i1 to i32
        %sign3A_210 = arith.subi %sign3A_206, %sign3A_209 : i32
        %sign3A_211 = arith.constant 0 : i32
        %sign3A_212 = arith.cmpi sgt, %jit3A_202, %sign3A_211 : i32
        %sign3A_213 = arith.extui %sign3A_212 : i1 to i32
        %sign3A_214 = arith.constant 0 : i32
        %sign3A_215 = arith.cmpi slt, %jit3A_202, %sign3A_214 : i32
        %sign3A_216 = arith.extui %sign3A_215 : i1 to i32
        %sign3A_217 = arith.subi %sign3A_213, %sign3A_216 : i32
        %ne3A_218 = arith.cmpi ne, %sign3A_210, %sign3A_217 : i32
        %rem3A_219 = arith.remsi %scan3A_201, %jit3A_202 : i32
        %ne3A_220 = arith.constant 0 : i32
        %ne3A_221 = arith.cmpi ne, %rem3A_219, %ne3A_220 : i32
        %and3A_222 = arith.andi %ne3A_218, %ne3A_221 : i1
        %sub3A_223 = arith.constant 1 : i32
        %sub3A_224 = arith.subi %div3A_203, %sub3A_223 : i32
        %select_n3A_225 = arith.select %and3A_222, %sub3A_224, %div3A_203 : i32
        %mul3A_226 = arith.constant 8 : i32
        %mul3A_227 = arith.muli %select_n3A_225, %mul3A_226 : i32
        %jit3A_228 = arith.constant 8 : i32
        %eq3A_229 = arith.constant 0 : i32
        %eq3A_230 = arith.cmpi eq, %jit3A_228, %eq3A_229 : i32
        %jit3A_231 = arith.constant 1 : i32
        %select_n3A_232 = arith.select %eq3A_230, %jit3A_231, %jit3A_228 : i32
        %rem3A_233 = arith.remsi %scan3A_201, %select_n3A_232 : i32
        %ne3A_234 = arith.constant 0 : i32
        %ne3A_235 = arith.cmpi ne, %rem3A_233, %ne3A_234 : i32
        %lt3A_236 = arith.constant 0 : i32
        %lt3A_237 = arith.cmpi slt, %rem3A_233, %lt3A_236 : i32
        %lt3A_238 = arith.constant 0 : i32
        %lt3A_239 = arith.cmpi slt, %select_n3A_232, %lt3A_238 : i32
        %ne3A_240 = arith.xori %lt3A_237, %lt3A_239 : i1
        %and3A_241 = arith.andi %ne3A_240, %ne3A_235 : i1
        %add3A_242 = arith.addi %rem3A_233, %select_n3A_232 : i32
        %select_n3A_243 = arith.select %and3A_241, %add3A_242, %rem3A_233 : i32
        %add3A_244 = arith.addi %mul3A_227, %select_n3A_243 : i32
        %jit3A_245 = arith.constant 8 : i32
        %div3A_246 = arith.divsi %add3A_244, %jit3A_245 : i32
        %sign3A_247 = arith.constant 0 : i32
        %sign3A_248 = arith.cmpi sgt, %add3A_244, %sign3A_247 : i32
        %sign3A_249 = arith.extui %sign3A_248 : i1 to i32
        %sign3A_250 = arith.constant 0 : i32
        %sign3A_251 = arith.cmpi slt, %add3A_244, %sign3A_250 : i32
        %sign3A_252 = arith.extui %sign3A_251 : i1 to i32
        %sign3A_253 = arith.subi %sign3A_249, %sign3A_252 : i32
        %sign3A_254 = arith.constant 0 : i32
        %sign3A_255 = arith.cmpi sgt, %jit3A_245, %sign3A_254 : i32
        %sign3A_256 = arith.extui %sign3A_255 : i1 to i32
        %sign3A_257 = arith.constant 0 : i32
        %sign3A_258 = arith.cmpi slt, %jit3A_245, %sign3A_257 : i32
        %sign3A_259 = arith.extui %sign3A_258 : i1 to i32
        %sign3A_260 = arith.subi %sign3A_256, %sign3A_259 : i32
        %ne3A_261 = arith.cmpi ne, %sign3A_253, %sign3A_260 : i32
        %rem3A_262 = arith.remsi %add3A_244, %jit3A_245 : i32
        %ne3A_263 = arith.constant 0 : i32
        %ne3A_264 = arith.cmpi ne, %rem3A_262, %ne3A_263 : i32
        %and3A_265 = arith.andi %ne3A_261, %ne3A_264 : i1
        %sub3A_266 = arith.constant 1 : i32
        %sub3A_267 = arith.subi %div3A_246, %sub3A_266 : i32
        %select_n3A_268 = arith.select %and3A_265, %sub3A_267, %div3A_246 : i32
        %mul3A_269 = arith.constant 128 : i32
        %mul3A_270 = arith.muli %select_n3A_268, %mul3A_269 : i32
        %jit3A_271 = arith.constant 8 : i32
        %eq3A_272 = arith.constant 0 : i32
        %eq3A_273 = arith.cmpi eq, %jit3A_271, %eq3A_272 : i32
        %jit3A_274 = arith.constant 1 : i32
        %select_n3A_275 = arith.select %eq3A_273, %jit3A_274, %jit3A_271 : i32
        %rem3A_276 = arith.remsi %add3A_244, %select_n3A_275 : i32
        %ne3A_277 = arith.constant 0 : i32
        %ne3A_278 = arith.cmpi ne, %rem3A_276, %ne3A_277 : i32
        %lt3A_279 = arith.constant 0 : i32
        %lt3A_280 = arith.cmpi slt, %rem3A_276, %lt3A_279 : i32
        %lt3A_281 = arith.constant 0 : i32
        %lt3A_282 = arith.cmpi slt, %select_n3A_275, %lt3A_281 : i32
        %ne3A_283 = arith.xori %lt3A_280, %lt3A_282 : i1
        %and3A_284 = arith.andi %ne3A_283, %ne3A_278 : i1
        %add3A_285 = arith.addi %rem3A_276, %select_n3A_275 : i32
        %select_n3A_286 = arith.select %and3A_284, %add3A_285, %rem3A_276 : i32
        %mul3A_287 = arith.constant 16 : i32
        %mul3A_288 = arith.muli %select_n3A_286, %mul3A_287 : i32
        %add3A_289 = arith.addi %mul3A_270, %mul3A_288 : i32
        %get3A_290 = arith.index_cast %add3A_289 : i32 to index
        %get3A_291 = tpu.vector_load %arg7[%get3A_290] {strides = array<i32>} : memref<1024xf32, #tpu.memory_space<vmem>>, vector<16xf32>,
        %get3A_292 = vector.shape_cast %get3A_291 : vector<16xf32> to vector<16xf32>
        %mul3A_293 = arith.constant 128 : i32
        %mul3A_294 = arith.muli %scan3A_201, %mul3A_293 : i32
        %add3A_295 = arith.constant 0 : i32
        %add3A_296 = arith.addi %mul3A_294, %add3A_295 : i32
        %get3A_297 = arith.index_cast %add3A_296 : i32 to index
        %get3A_298 = tpu.vector_load %arg6[%get3A_297] {strides = array<i32>} : memref<65536xf32, #tpu.memory_space<vmem>>, vector<16xf32>,
        %get3A_299 = vector.shape_cast %get3A_298 : vector<16xf32> to vector<16xf32>
        %add3A_300 = arith.addf %get3A_299, %get3A_292 : vector<16xf32>
        %swap3A_301 = arith.index_cast %add3A_296 : i32 to index
        %swap3A_302 = tpu.vector_load %arg6[%swap3A_301] {strides = array<i32>} : memref<65536xf32, #tpu.memory_space<vmem>>, vector<16xf32>,
        %swap3A_303 = vector.shape_cast %swap3A_302 : vector<16xf32> to vector<16xf32>
        %swap3A_304 = vector.shape_cast %add3A_300 : vector<16xf32> to vector<16xf32>
        tpu.vector_store %arg6[%swap3A_301], %swap3A_304 {strides = array<i32>} : memref<65536xf32, #tpu.memory_space<vmem>>, vector<16xf32>,
        %add3A_305 = arith.constant 16 : i32
        %add3A_306 = arith.addi %mul3A_294, %add3A_305 : i32
        %get3A_307 = arith.index_cast %add3A_306 : i32 to index
        %get3A_308 = tpu.vector_load %arg6[%get3A_307] {strides = array<i32>} : memref<65536xf32, #tpu.memory_space<vmem>>, vector<16xf32>,
        %get3A_309 = vector.shape_cast %get3A_308 : vector<16xf32> to vector<16xf32>
        %add3A_310 = arith.addf %get3A_309, %get3A_292 : vector<16xf32>
        %swap3A_311 = arith.index_cast %add3A_306 : i32 to index
        %swap3A_312 = tpu.vector_load %arg6[%swap3A_311] {strides = array<i32>} : memref<65536xf32, #tpu.memory_space<vmem>>, vector<16xf32>,
        %swap3A_313 = vector.shape_cast %swap3A_312 : vector<16xf32> to vector<16xf32>
        %swap3A_314 = vector.shape_cast %add3A_310 : vector<16xf32> to vector<16xf32>
        tpu.vector_store %arg6[%swap3A_311], %swap3A_314 {strides = array<i32>} : memref<65536xf32, #tpu.memory_space<vmem>>, vector<16xf32>,
        %add3A_315 = arith.constant 32 : i32
        %add3A_316 = arith.addi %mul3A_294, %add3A_315 : i32
        %get3A_317 = arith.index_cast %add3A_316 : i32 to index
        %get3A_318 = tpu.vector_load %arg6[%get3A_317] {strides = array<i32>} : memref<65536xf32, #tpu.memory_space<vmem>>, vector<16xf32>,
        %get3A_319 = vector.shape_cast %get3A_318 : vector<16xf32> to vector<16xf32>
        %add3A_320 = arith.addf %get3A_319, %get3A_292 : vector<16xf32>
        %swap3A_321 = arith.index_cast %add3A_316 : i32 to index
        %swap3A_322 = tpu.vector_load %arg6[%swap3A_321] {strides = array<i32>} : memref<65536xf32, #tpu.memory_space<vmem>>, vector<16xf32>,
        %swap3A_323 = vector.shape_cast %swap3A_322 : vector<16xf32> to vector<16xf32>
        %swap3A_324 = vector.shape_cast %add3A_320 : vector<16xf32> to vector<16xf32>
        tpu.vector_store %arg6[%swap3A_321], %swap3A_324 {strides = array<i32>} : memref<65536xf32, #tpu.memory_space<vmem>>, vector<16xf32>,
        %add3A_325 = arith.constant 48 : i32
        %add3A_326 = arith.addi %mul3A_294, %add3A_325 : i32
        %get3A_327 = arith.index_cast %add3A_326 : i32 to index
        %get3A_328 = tpu.vector_load %arg6[%get3A_327] {strides = array<i32>} : memref<65536xf32, #tpu.memory_space<vmem>>, vector<16xf32>,
        %get3A_329 = vector.shape_cast %get3A_328 : vector<16xf32> to vector<16xf32>
        %add3A_330 = arith.addf %get3A_329, %get3A_292 : vector<16xf32>
        %swap3A_331 = arith.index_cast %add3A_326 : i32 to index
        %swap3A_332 = tpu.vector_load %arg6[%swap3A_331] {strides = array<i32>} : memref<65536xf32, #tpu.memory_space<vmem>>, vector<16xf32>,
        %swap3A_333 = vector.shape_cast %swap3A_332 : vector<16xf32> to vector<16xf32>
        %swap3A_334 = vector.shape_cast %add3A_330 : vector<16xf32> to vector<16xf32>
        tpu.vector_store %arg6[%swap3A_331], %swap3A_334 {strides = array<i32>} : memref<65536xf32, #tpu.memory_space<vmem>>, vector<16xf32>,
        %add3A_335 = arith.constant 64 : i32
        %add3A_336 = arith.addi %mul3A_294, %add3A_335 : i32
        %get3A_337 = arith.index_cast %add3A_336 : i32 to index
        %get3A_338 = tpu.vector_load %arg6[%get3A_337] {strides = array<i32>} : memref<65536xf32, #tpu.memory_space<vmem>>, vector<16xf32>,
        %get3A_339 = vector.shape_cast %get3A_338 : vector<16xf32> to vector<16xf32>
        %add3A_340 = arith.addf %get3A_339, %get3A_292 : vector<16xf32>
        %swap3A_341 = arith.index_cast %add3A_336 : i32 to index
        %swap3A_342 = tpu.vector_load %arg6[%swap3A_341] {strides = array<i32>} : memref<65536xf32, #tpu.memory_space<vmem>>, vector<16xf32>,
        %swap3A_343 = vector.shape_cast %swap3A_342 : vector<16xf32> to vector<16xf32>
        %swap3A_344 = vector.shape_cast %add3A_340 : vector<16xf32> to vector<16xf32>
        tpu.vector_store %arg6[%swap3A_341], %swap3A_344 {strides = array<i32>} : memref<65536xf32, #tpu.memory_space<vmem>>, vector<16xf32>,
        %add3A_345 = arith.constant 80 : i32
        %add3A_346 = arith.addi %mul3A_294, %add3A_345 : i32
        %get3A_347 = arith.index_cast %add3A_346 : i32 to index
        %get3A_348 = tpu.vector_load %arg6[%get3A_347] {strides = array<i32>} : memref<65536xf32, #tpu.memory_space<vmem>>, vector<16xf32>,
        %get3A_349 = vector.shape_cast %get3A_348 : vector<16xf32> to vector<16xf32>
        %add3A_350 = arith.addf %get3A_349, %get3A_292 : vector<16xf32>
        %swap3A_351 = arith.index_cast %add3A_346 : i32 to index
        %swap3A_352 = tpu.vector_load %arg6[%swap3A_351] {strides = array<i32>} : memref<65536xf32, #tpu.memory_space<vmem>>, vector<16xf32>,
        %swap3A_353 = vector.shape_cast %swap3A_352 : vector<16xf32> to vector<16xf32>
        %swap3A_354 = vector.shape_cast %add3A_350 : vector<16xf32> to vector<16xf32>
        tpu.vector_store %arg6[%swap3A_351], %swap3A_354 {strides = array<i32>} : memref<65536xf32, #tpu.memory_space<vmem>>, vector<16xf32>,
        %add3A_355 = arith.constant 96 : i32
        %add3A_356 = arith.addi %mul3A_294, %add3A_355 : i32
        %get3A_357 = arith.index_cast %add3A_356 : i32 to index
        %get3A_358 = tpu.vector_load %arg6[%get3A_357] {strides = array<i32>} : memref<65536xf32, #tpu.memory_space<vmem>>, vector<16xf32>,
        %get3A_359 = vector.shape_cast %get3A_358 : vector<16xf32> to vector<16xf32>
        %add3A_360 = arith.addf %get3A_359, %get3A_292 : vector<16xf32>
        %swap3A_361 = arith.index_cast %add3A_356 : i32 to index
        %swap3A_362 = tpu.vector_load %arg6[%swap3A_361] {strides = array<i32>} : memref<65536xf32, #tpu.memory_space<vmem>>, vector<16xf32>,
        %swap3A_363 = vector.shape_cast %swap3A_362 : vector<16xf32> to vector<16xf32>
        %swap3A_364 = vector.shape_cast %add3A_360 : vector<16xf32> to vector<16xf32>
        tpu.vector_store %arg6[%swap3A_361], %swap3A_364 {strides = array<i32>} : memref<65536xf32, #tpu.memory_space<vmem>>, vector<16xf32>,
        %add3A_365 = arith.constant 112 : i32
        %add3A_366 = arith.addi %mul3A_294, %add3A_365 : i32
        %get3A_367 = arith.index_cast %add3A_366 : i32 to index
        %get3A_368 = tpu.vector_load %arg6[%get3A_367] {strides = array<i32>} : memref<65536xf32, #tpu.memory_space<vmem>>, vector<16xf32>,
        %get3A_369 = vector.shape_cast %get3A_368 : vector<16xf32> to vector<16xf32>
        %add3A_370 = arith.addf %get3A_369, %get3A_292 : vector<16xf32>
        %swap3A_371 = arith.index_cast %add3A_366 : i32 to index
        %swap3A_372 = tpu.vector_load %arg6[%swap3A_371] {strides = array<i32>} : memref<65536xf32, #tpu.memory_space<vmem>>, vector<16xf32>,
        %swap3A_373 = vector.shape_cast %swap3A_372 : vector<16xf32> to vector<16xf32>
        %swap3A_374 = vector.shape_cast %add3A_370 : vector<16xf32> to vector<16xf32>
        tpu.vector_store %arg6[%swap3A_371], %swap3A_374 {strides = array<i32>} : memref<65536xf32, #tpu.memory_space<vmem>>, vector<16xf32>,
        %scan3A_375 = arith.constant 2 : i32
        %scan3A_376 = arith.addi %scan3A_38, %scan3A_375 : i32
        %jit3A_377 = arith.constant 64 : i32
        %div3A_378 = arith.divsi %scan3A_376, %jit3A_377 : i32
        %sign3A_379 = arith.constant 0 : i32
        %sign3A_380 = arith.cmpi sgt, %scan3A_376, %sign3A_379 : i32
        %sign3A_381 = arith.extui %sign3A_380 : i1 to i32
        %sign3A_382 = arith.constant 0 : i32
        %sign3A_383 = arith.cmpi slt, %scan3A_376, %sign3A_382 : i32
        %sign3A_384 = arith.extui %sign3A_383 : i1 to i32
        %sign3A_385 = arith.subi %sign3A_381, %sign3A_384 : i32
        %sign3A_386 = arith.constant 0 : i32
        %sign3A_387 = arith.cmpi sgt, %jit3A_377, %sign3A_386 : i32
        %sign3A_388 = arith.extui %sign3A_387 : i1 to i32
        %sign3A_389 = arith.constant 0 : i32
        %sign3A_390 = arith.cmpi slt, %jit3A_377, %sign3A_389 : i32
        %sign3A_391 = arith.extui %sign3A_390 : i1 to i32
        %sign3A_392 = arith.subi %sign3A_388, %sign3A_391 : i32
        %ne3A_393 = arith.cmpi ne, %sign3A_385, %sign3A_392 : i32
        %rem3A_394 = arith.remsi %scan3A_376, %jit3A_377 : i32
        %ne3A_395 = arith.constant 0 : i32
        %ne3A_396 = arith.cmpi ne, %rem3A_394, %ne3A_395 : i32
        %and3A_397 = arith.andi %ne3A_393, %ne3A_396 : i1
        %sub3A_398 = arith.constant 1 : i32
        %sub3A_399 = arith.subi %div3A_378, %sub3A_398 : i32
        %select_n3A_400 = arith.select %and3A_397, %sub3A_399, %div3A_378 : i32
        %mul3A_401 = arith.constant 8 : i32
        %mul3A_402 = arith.muli %select_n3A_400, %mul3A_401 : i32
        %jit3A_403 = arith.constant 8 : i32
        %eq3A_404 = arith.constant 0 : i32
        %eq3A_405 = arith.cmpi eq, %jit3A_403, %eq3A_404 : i32
        %jit3A_406 = arith.constant 1 : i32
        %select_n3A_407 = arith.select %eq3A_405, %jit3A_406, %jit3A_403 : i32
        %rem3A_408 = arith.remsi %scan3A_376, %select_n3A_407 : i32
        %ne3A_409 = arith.constant 0 : i32
        %ne3A_410 = arith.cmpi ne, %rem3A_408, %ne3A_409 : i32
        %lt3A_411 = arith.constant 0 : i32
        %lt3A_412 = arith.cmpi slt, %rem3A_408, %lt3A_411 : i32
        %lt3A_413 = arith.constant 0 : i32
        %lt3A_414 = arith.cmpi slt, %select_n3A_407, %lt3A_413 : i32
        %ne3A_415 = arith.xori %lt3A_412, %lt3A_414 : i1
        %and3A_416 = arith.andi %ne3A_415, %ne3A_410 : i1
        %add3A_417 = arith.addi %rem3A_408, %select_n3A_407 : i32
        %select_n3A_418 = arith.select %and3A_416, %add3A_417, %rem3A_408 : i32
        %add3A_419 = arith.addi %mul3A_402, %select_n3A_418 : i32
        %jit3A_420 = arith.constant 8 : i32
        %div3A_421 = arith.divsi %add3A_419, %jit3A_420 : i32
        %sign3A_422 = arith.constant 0 : i32
        %sign3A_423 = arith.cmpi sgt, %add3A_419, %sign3A_422 : i32
        %sign3A_424 = arith.extui %sign3A_423 : i1 to i32
        %sign3A_425 = arith.constant 0 : i32
        %sign3A_426 = arith.cmpi slt, %add3A_419, %sign3A_425 : i32
        %sign3A_427 = arith.extui %sign3A_426 : i1 to i32
        %sign3A_428 = arith.subi %sign3A_424, %sign3A_427 : i32
        %sign3A_429 = arith.constant 0 : i32
        %sign3A_430 = arith.cmpi sgt, %jit3A_420, %sign3A_429 : i32
        %sign3A_431 = arith.extui %sign3A_430 : i1 to i32
        %sign3A_432 = arith.constant 0 : i32
        %sign3A_433 = arith.cmpi slt, %jit3A_420, %sign3A_432 : i32
        %sign3A_434 = arith.extui %sign3A_433 : i1 to i32
        %sign3A_435 = arith.subi %sign3A_431, %sign3A_434 : i32
        %ne3A_436 = arith.cmpi ne, %sign3A_428, %sign3A_435 : i32
        %rem3A_437 = arith.remsi %add3A_419, %jit3A_420 : i32
        %ne3A_438 = arith.constant 0 : i32
        %ne3A_439 = arith.cmpi ne, %rem3A_437, %ne3A_438 : i32
        %and3A_440 = arith.andi %ne3A_436, %ne3A_439 : i1
        %sub3A_441 = arith.constant 1 : i32
        %sub3A_442 = arith.subi %div3A_421, %sub3A_441 : i32
        %select_n3A_443 = arith.select %and3A_440, %sub3A_442, %div3A_421 : i32
        %mul3A_444 = arith.constant 128 : i32
        %mul3A_445 = arith.muli %select_n3A_443, %mul3A_444 : i32
        %jit3A_446 = arith.constant 8 : i32
        %eq3A_447 = arith.constant 0 : i32
        %eq3A_448 = arith.cmpi eq, %jit3A_446, %eq3A_447 : i32
        %jit3A_449 = arith.constant 1 : i32
        %select_n3A_450 = arith.select %eq3A_448, %jit3A_449, %jit3A_446 : i32
        %rem3A_451 = arith.remsi %add3A_419, %select_n3A_450 : i32
        %ne3A_452 = arith.constant 0 : i32
        %ne3A_453 = arith.cmpi ne, %rem3A_451, %ne3A_452 : i32
        %lt3A_454 = arith.constant 0 : i32
        %lt3A_455 = arith.cmpi slt, %rem3A_451, %lt3A_454 : i32
        %lt3A_456 = arith.constant 0 : i32
        %lt3A_457 = arith.cmpi slt, %select_n3A_450, %lt3A_456 : i32
        %ne3A_458 = arith.xori %lt3A_455, %lt3A_457 : i1
        %and3A_459 = arith.andi %ne3A_458, %ne3A_453 : i1
        %add3A_460 = arith.addi %rem3A_451, %select_n3A_450 : i32
        %select_n3A_461 = arith.select %and3A_459, %add3A_460, %rem3A_451 : i32
        %mul3A_462 = arith.constant 16 : i32
        %mul3A_463 = arith.muli %select_n3A_461, %mul3A_462 : i32
        %add3A_464 = arith.addi %mul3A_445, %mul3A_463 : i32
        %get3A_465 = arith.index_cast %add3A_464 : i32 to index
        %get3A_466 = tpu.vector_load %arg7[%get3A_465] {strides = array<i32>} : memref<1024xf32, #tpu.memory_space<vmem>>, vector<16xf32>,
        %get3A_467 = vector.shape_cast %get3A_466 : vector<16xf32> to vector<16xf32>
        %mul3A_468 = arith.constant 128 : i32
        %mul3A_469 = arith.muli %scan3A_376, %mul3A_468 : i32
        %add3A_470 = arith.constant 0 : i32
        %add3A_471 = arith.addi %mul3A_469, %add3A_470 : i32
        %get3A_472 = arith.index_cast %add3A_471 : i32 to index
        %get3A_473 = tpu.vector_load %arg6[%get3A_472] {strides = array<i32>} : memref<65536xf32, #tpu.memory_space<vmem>>, vector<16xf32>,
        %get3A_474 = vector.shape_cast %get3A_473 : vector<16xf32> to vector<16xf32>
        %add3A_475 = arith.addf %get3A_474, %get3A_467 : vector<16xf32>
        %swap3A_476 = arith.index_cast %add3A_471 : i32 to index
        %swap3A_477 = tpu.vector_load %arg6[%swap3A_476] {strides = array<i32>} : memref<65536xf32, #tpu.memory_space<vmem>>, vector<16xf32>,
        %swap3A_478 = vector.shape_cast %swap3A_477 : vector<16xf32> to vector<16xf32>
        %swap3A_479 = vector.shape_cast %add3A_475 : vector<16xf32> to vector<16xf32>
        tpu.vector_store %arg6[%swap3A_476], %swap3A_479 {strides = array<i32>} : memref<65536xf32, #tpu.memory_space<vmem>>, vector<16xf32>,
        %add3A_480 = arith.constant 16 : i32
        %add3A_481 = arith.addi %mul3A_469, %add3A_480 : i32
        %get3A_482 = arith.index_cast %add3A_481 : i32 to index
        %get3A_483 = tpu.vector_load %arg6[%get3A_482] {strides = array<i32>} : memref<65536xf32, #tpu.memory_space<vmem>>, vector<16xf32>,
        %get3A_484 = vector.shape_cast %get3A_483 : vector<16xf32> to vector<16xf32>
        %add3A_485 = arith.addf %get3A_484, %get3A_467 : vector<16xf32>
        %swap3A_486 = arith.index_cast %add3A_481 : i32 to index
        %swap3A_487 = tpu.vector_load %arg6[%swap3A_486] {strides = array<i32>} : memref<65536xf32, #tpu.memory_space<vmem>>, vector<16xf32>,
        %swap3A_488 = vector.shape_cast %swap3A_487 : vector<16xf32> to vector<16xf32>
        %swap3A_489 = vector.shape_cast %add3A_485 : vector<16xf32> to vector<16xf32>
        tpu.vector_store %arg6[%swap3A_486], %swap3A_489 {strides = array<i32>} : memref<65536xf32, #tpu.memory_space<vmem>>, vector<16xf32>,
        %add3A_490 = arith.constant 32 : i32
        %add3A_491 = arith.addi %mul3A_469, %add3A_490 : i32
        %get3A_492 = arith.index_cast %add3A_491 : i32 to index
        %get3A_493 = tpu.vector_load %arg6[%get3A_492] {strides = array<i32>} : memref<65536xf32, #tpu.memory_space<vmem>>, vector<16xf32>,
        %get3A_494 = vector.shape_cast %get3A_493 : vector<16xf32> to vector<16xf32>
        %add3A_495 = arith.addf %get3A_494, %get3A_467 : vector<16xf32>
        %swap3A_496 = arith.index_cast %add3A_491 : i32 to index
        %swap3A_497 = tpu.vector_load %arg6[%swap3A_496] {strides = array<i32>} : memref<65536xf32, #tpu.memory_space<vmem>>, vector<16xf32>,
        %swap3A_498 = vector.shape_cast %swap3A_497 : vector<16xf32> to vector<16xf32>
        %swap3A_499 = vector.shape_cast %add3A_495 : vector<16xf32> to vector<16xf32>
        tpu.vector_store %arg6[%swap3A_496], %swap3A_499 {strides = array<i32>} : memref<65536xf32, #tpu.memory_space<vmem>>, vector<16xf32>,
        %add3A_500 = arith.constant 48 : i32
        %add3A_501 = arith.addi %mul3A_469, %add3A_500 : i32
        %get3A_502 = arith.index_cast %add3A_501 : i32 to index
        %get3A_503 = tpu.vector_load %arg6[%get3A_502] {strides = array<i32>} : memref<65536xf32, #tpu.memory_space<vmem>>, vector<16xf32>,
        %get3A_504 = vector.shape_cast %get3A_503 : vector<16xf32> to vector<16xf32>
        %add3A_505 = arith.addf %get3A_504, %get3A_467 : vector<16xf32>
        %swap3A_506 = arith.index_cast %add3A_501 : i32 to index
        %swap3A_507 = tpu.vector_load %arg6[%swap3A_506] {strides = array<i32>} : memref<65536xf32, #tpu.memory_space<vmem>>, vector<16xf32>,
        %swap3A_508 = vector.shape_cast %swap3A_507 : vector<16xf32> to vector<16xf32>
        %swap3A_509 = vector.shape_cast %add3A_505 : vector<16xf32> to vector<16xf32>
        tpu.vector_store %arg6[%swap3A_506], %swap3A_509 {strides = array<i32>} : memref<65536xf32, #tpu.memory_space<vmem>>, vector<16xf32>,
        %add3A_510 = arith.constant 64 : i32
        %add3A_511 = arith.addi %mul3A_469, %add3A_510 : i32
        %get3A_512 = arith.index_cast %add3A_511 : i32 to index
        %get3A_513 = tpu.vector_load %arg6[%get3A_512] {strides = array<i32>} : memref<65536xf32, #tpu.memory_space<vmem>>, vector<16xf32>,
        %get3A_514 = vector.shape_cast %get3A_513 : vector<16xf32> to vector<16xf32>
        %add3A_515 = arith.addf %get3A_514, %get3A_467 : vector<16xf32>
        %swap3A_516 = arith.index_cast %add3A_511 : i32 to index
        %swap3A_517 = tpu.vector_load %arg6[%swap3A_516] {strides = array<i32>} : memref<65536xf32, #tpu.memory_space<vmem>>, vector<16xf32>,
        %swap3A_518 = vector.shape_cast %swap3A_517 : vector<16xf32> to vector<16xf32>
        %swap3A_519 = vector.shape_cast %add3A_515 : vector<16xf32> to vector<16xf32>
        tpu.vector_store %arg6[%swap3A_516], %swap3A_519 {strides = array<i32>} : memref<65536xf32, #tpu.memory_space<vmem>>, vector<16xf32>,
        %add3A_520 = arith.constant 80 : i32
        %add3A_521 = arith.addi %mul3A_469, %add3A_520 : i32
        %get3A_522 = arith.index_cast %add3A_521 : i32 to index
        %get3A_523 = tpu.vector_load %arg6[%get3A_522] {strides = array<i32>} : memref<65536xf32, #tpu.memory_space<vmem>>, vector<16xf32>,
        %get3A_524 = vector.shape_cast %get3A_523 : vector<16xf32> to vector<16xf32>
        %add3A_525 = arith.addf %get3A_524, %get3A_467 : vector<16xf32>
        %swap3A_526 = arith.index_cast %add3A_521 : i32 to index
        %swap3A_527 = tpu.vector_load %arg6[%swap3A_526] {strides = array<i32>} : memref<65536xf32, #tpu.memory_space<vmem>>, vector<16xf32>,
        %swap3A_528 = vector.shape_cast %swap3A_527 : vector<16xf32> to vector<16xf32>
        %swap3A_529 = vector.shape_cast %add3A_525 : vector<16xf32> to vector<16xf32>
        tpu.vector_store %arg6[%swap3A_526], %swap3A_529 {strides = array<i32>} : memref<65536xf32, #tpu.memory_space<vmem>>, vector<16xf32>,
        %add3A_530 = arith.constant 96 : i32
        %add3A_531 = arith.addi %mul3A_469, %add3A_530 : i32
        %get3A_532 = arith.index_cast %add3A_531 : i32 to index
        %get3A_533 = tpu.vector_load %arg6[%get3A_532] {strides = array<i32>} : memref<65536xf32, #tpu.memory_space<vmem>>, vector<16xf32>,
        %get3A_534 = vector.shape_cast %get3A_533 : vector<16xf32> to vector<16xf32>
        %add3A_535 = arith.addf %get3A_534, %get3A_467 : vector<16xf32>
        %swap3A_536 = arith.index_cast %add3A_531 : i32 to index
        %swap3A_537 = tpu.vector_load %arg6[%swap3A_536] {strides = array<i32>} : memref<65536xf32, #tpu.memory_space<vmem>>, vector<16xf32>,
        %swap3A_538 = vector.shape_cast %swap3A_537 : vector<16xf32> to vector<16xf32>
        %swap3A_539 = vector.shape_cast %add3A_535 : vector<16xf32> to vector<16xf32>
        tpu.vector_store %arg6[%swap3A_536], %swap3A_539 {strides = array<i32>} : memref<65536xf32, #tpu.memory_space<vmem>>, vector<16xf32>,
        %add3A_540 = arith.constant 112 : i32
        %add3A_541 = arith.addi %mul3A_469, %add3A_540 : i32
        %get3A_542 = arith.index_cast %add3A_541 : i32 to index
        %get3A_543 = tpu.vector_load %arg6[%get3A_542] {strides = array<i32>} : memref<65536xf32, #tpu.memory_space<vmem>>, vector<16xf32>,
        %get3A_544 = vector.shape_cast %get3A_543 : vector<16xf32> to vector<16xf32>
        %add3A_545 = arith.addf %get3A_544, %get3A_467 : vector<16xf32>
        %swap3A_546 = arith.index_cast %add3A_541 : i32 to index
        %swap3A_547 = tpu.vector_load %arg6[%swap3A_546] {strides = array<i32>} : memref<65536xf32, #tpu.memory_space<vmem>>, vector<16xf32>,
        %swap3A_548 = vector.shape_cast %swap3A_547 : vector<16xf32> to vector<16xf32>
        %swap3A_549 = vector.shape_cast %add3A_545 : vector<16xf32> to vector<16xf32>
        tpu.vector_store %arg6[%swap3A_546], %swap3A_549 {strides = array<i32>} : memref<65536xf32, #tpu.memory_space<vmem>>, vector<16xf32>,
        %scan3A_550 = arith.constant 3 : i32
        %scan3A_551 = arith.addi %scan3A_38, %scan3A_550 : i32
        %jit3A_552 = arith.constant 64 : i32
        %div3A_553 = arith.divsi %scan3A_551, %jit3A_552 : i32
        %sign3A_554 = arith.constant 0 : i32
        %sign3A_555 = arith.cmpi sgt, %scan3A_551, %sign3A_554 : i32
        %sign3A_556 = arith.extui %sign3A_555 : i1 to i32
        %sign3A_557 = arith.constant 0 : i32
        %sign3A_558 = arith.cmpi slt, %scan3A_551, %sign3A_557 : i32
        %sign3A_559 = arith.extui %sign3A_558 : i1 to i32
        %sign3A_560 = arith.subi %sign3A_556, %sign3A_559 : i32
        %sign3A_561 = arith.constant 0 : i32
        %sign3A_562 = arith.cmpi sgt, %jit3A_552, %sign3A_561 : i32
        %sign3A_563 = arith.extui %sign3A_562 : i1 to i32
        %sign3A_564 = arith.constant 0 : i32
        %sign3A_565 = arith.cmpi slt, %jit3A_552, %sign3A_564 : i32
        %sign3A_566 = arith.extui %sign3A_565 : i1 to i32
        %sign3A_567 = arith.subi %sign3A_563, %sign3A_566 : i32
        %ne3A_568 = arith.cmpi ne, %sign3A_560, %sign3A_567 : i32
        %rem3A_569 = arith.remsi %scan3A_551, %jit3A_552 : i32
        %ne3A_570 = arith.constant 0 : i32
        %ne3A_571 = arith.cmpi ne, %rem3A_569, %ne3A_570 : i32
        %and3A_572 = arith.andi %ne3A_568, %ne3A_571 : i1
        %sub3A_573 = arith.constant 1 : i32
        %sub3A_574 = arith.subi %div3A_553, %sub3A_573 : i32
        %select_n3A_575 = arith.select %and3A_572, %sub3A_574, %div3A_553 : i32
        %mul3A_576 = arith.constant 8 : i32
        %mul3A_577 = arith.muli %select_n3A_575, %mul3A_576 : i32
        %jit3A_578 = arith.constant 8 : i32
        %eq3A_579 = arith.constant 0 : i32
        %eq3A_580 = arith.cmpi eq, %jit3A_578, %eq3A_579 : i32
        %jit3A_581 = arith.constant 1 : i32
        %select_n3A_582 = arith.select %eq3A_580, %jit3A_581, %jit3A_578 : i32
        %rem3A_583 = arith.remsi %scan3A_551, %select_n3A_582 : i32
        %ne3A_584 = arith.constant 0 : i32
        %ne3A_585 = arith.cmpi ne, %rem3A_583, %ne3A_584 : i32
        %lt3A_586 = arith.constant 0 : i32
        %lt3A_587 = arith.cmpi slt, %rem3A_583, %lt3A_586 : i32
        %lt3A_588 = arith.constant 0 : i32
        %lt3A_589 = arith.cmpi slt, %select_n3A_582, %lt3A_588 : i32
        %ne3A_590 = arith.xori %lt3A_587, %lt3A_589 : i1
        %and3A_591 = arith.andi %ne3A_590, %ne3A_585 : i1
        %add3A_592 = arith.addi %rem3A_583, %select_n3A_582 : i32
        %select_n3A_593 = arith.select %and3A_591, %add3A_592, %rem3A_583 : i32
        %add3A_594 = arith.addi %mul3A_577, %select_n3A_593 : i32
        %jit3A_595 = arith.constant 8 : i32
        %div3A_596 = arith.divsi %add3A_594, %jit3A_595 : i32
        %sign3A_597 = arith.constant 0 : i32
        %sign3A_598 = arith.cmpi sgt, %add3A_594, %sign3A_597 : i32
        %sign3A_599 = arith.extui %sign3A_598 : i1 to i32
        %sign3A_600 = arith.constant 0 : i32
        %sign3A_601 = arith.cmpi slt, %add3A_594, %sign3A_600 : i32
        %sign3A_602 = arith.extui %sign3A_601 : i1 to i32
        %sign3A_603 = arith.subi %sign3A_599, %sign3A_602 : i32
        %sign3A_604 = arith.constant 0 : i32
        %sign3A_605 = arith.cmpi sgt, %jit3A_595, %sign3A_604 : i32
        %sign3A_606 = arith.extui %sign3A_605 : i1 to i32
        %sign3A_607 = arith.constant 0 : i32
        %sign3A_608 = arith.cmpi slt, %jit3A_595, %sign3A_607 : i32
        %sign3A_609 = arith.extui %sign3A_608 : i1 to i32
        %sign3A_610 = arith.subi %sign3A_606, %sign3A_609 : i32
        %ne3A_611 = arith.cmpi ne, %sign3A_603, %sign3A_610 : i32
        %rem3A_612 = arith.remsi %add3A_594, %jit3A_595 : i32
        %ne3A_613 = arith.constant 0 : i32
        %ne3A_614 = arith.cmpi ne, %rem3A_612, %ne3A_613 : i32
        %and3A_615 = arith.andi %ne3A_611, %ne3A_614 : i1
        %sub3A_616 = arith.constant 1 : i32
        %sub3A_617 = arith.subi %div3A_596, %sub3A_616 : i32
        %select_n3A_618 = arith.select %and3A_615, %sub3A_617, %div3A_596 : i32
        %mul3A_619 = arith.constant 128 : i32
        %mul3A_620 = arith.muli %select_n3A_618, %mul3A_619 : i32
        %jit3A_621 = arith.constant 8 : i32
        %eq3A_622 = arith.constant 0 : i32
        %eq3A_623 = arith.cmpi eq, %jit3A_621, %eq3A_622 : i32
        %jit3A_624 = arith.constant 1 : i32
        %select_n3A_625 = arith.select %eq3A_623, %jit3A_624, %jit3A_621 : i32
        %rem3A_626 = arith.remsi %add3A_594, %select_n3A_625 : i32
        %ne3A_627 = arith.constant 0 : i32
        %ne3A_628 = arith.cmpi ne, %rem3A_626, %ne3A_627 : i32
        %lt3A_629 = arith.constant 0 : i32
        %lt3A_630 = arith.cmpi slt, %rem3A_626, %lt3A_629 : i32
        %lt3A_631 = arith.constant 0 : i32
        %lt3A_632 = arith.cmpi slt, %select_n3A_625, %lt3A_631 : i32
        %ne3A_633 = arith.xori %lt3A_630, %lt3A_632 : i1
        %and3A_634 = arith.andi %ne3A_633, %ne3A_628 : i1
        %add3A_635 = arith.addi %rem3A_626, %select_n3A_625 : i32
        %select_n3A_636 = arith.select %and3A_634, %add3A_635, %rem3A_626 : i32
        %mul3A_637 = arith.constant 16 : i32
        %mul3A_638 = arith.muli %select_n3A_636, %mul3A_637 : i32
        %add3A_639 = arith.addi %mul3A_620, %mul3A_638 : i32
        %get3A_640 = arith.index_cast %add3A_639 : i32 to index
        %get3A_641 = tpu.vector_load %arg7[%get3A_640] {strides = array<i32>} : memref<1024xf32, #tpu.memory_space<vmem>>, vector<16xf32>,
        %get3A_642 = vector.shape_cast %get3A_641 : vector<16xf32> to vector<16xf32>
        %mul3A_643 = arith.constant 128 : i32
        %mul3A_644 = arith.muli %scan3A_551, %mul3A_643 : i32
        %add3A_645 = arith.constant 0 : i32
        %add3A_646 = arith.addi %mul3A_644, %add3A_645 : i32
        %get3A_647 = arith.index_cast %add3A_646 : i32 to index
        %get3A_648 = tpu.vector_load %arg6[%get3A_647] {strides = array<i32>} : memref<65536xf32, #tpu.memory_space<vmem>>, vector<16xf32>,
        %get3A_649 = vector.shape_cast %get3A_648 : vector<16xf32> to vector<16xf32>
        %add3A_650 = arith.addf %get3A_649, %get3A_642 : vector<16xf32>
        %swap3A_651 = arith.index_cast %add3A_646 : i32 to index
        %swap3A_652 = tpu.vector_load %arg6[%swap3A_651] {strides = array<i32>} : memref<65536xf32, #tpu.memory_space<vmem>>, vector<16xf32>,
        %swap3A_653 = vector.shape_cast %swap3A_652 : vector<16xf32> to vector<16xf32>
        %swap3A_654 = vector.shape_cast %add3A_650 : vector<16xf32> to vector<16xf32>
        tpu.vector_store %arg6[%swap3A_651], %swap3A_654 {strides = array<i32>} : memref<65536xf32, #tpu.memory_space<vmem>>, vector<16xf32>,
        %add3A_655 = arith.constant 16 : i32
        %add3A_656 = arith.addi %mul3A_644, %add3A_655 : i32
        %get3A_657 = arith.index_cast %add3A_656 : i32 to index
        %get3A_658 = tpu.vector_load %arg6[%get3A_657] {strides = array<i32>} : memref<65536xf32, #tpu.memory_space<vmem>>, vector<16xf32>,
        %get3A_659 = vector.shape_cast %get3A_658 : vector<16xf32> to vector<16xf32>
        %add3A_660 = arith.addf %get3A_659, %get3A_642 : vector<16xf32>
        %swap3A_661 = arith.index_cast %add3A_656 : i32 to index
        %swap3A_662 = tpu.vector_load %arg6[%swap3A_661] {strides = array<i32>} : memref<65536xf32, #tpu.memory_space<vmem>>, vector<16xf32>,
        %swap3A_663 = vector.shape_cast %swap3A_662 : vector<16xf32> to vector<16xf32>
        %swap3A_664 = vector.shape_cast %add3A_660 : vector<16xf32> to vector<16xf32>
        tpu.vector_store %arg6[%swap3A_661], %swap3A_664 {strides = array<i32>} : memref<65536xf32, #tpu.memory_space<vmem>>, vector<16xf32>,
        %add3A_665 = arith.constant 32 : i32
        %add3A_666 = arith.addi %mul3A_644, %add3A_665 : i32
        %get3A_667 = arith.index_cast %add3A_666 : i32 to index
        %get3A_668 = tpu.vector_load %arg6[%get3A_667] {strides = array<i32>} : memref<65536xf32, #tpu.memory_space<vmem>>, vector<16xf32>,
        %get3A_669 = vector.shape_cast %get3A_668 : vector<16xf32> to vector<16xf32>
        %add3A_670 = arith.addf %get3A_669, %get3A_642 : vector<16xf32>
        %swap3A_671 = arith.index_cast %add3A_666 : i32 to index
        %swap3A_672 = tpu.vector_load %arg6[%swap3A_671] {strides = array<i32>} : memref<65536xf32, #tpu.memory_space<vmem>>, vector<16xf32>,
        %swap3A_673 = vector.shape_cast %swap3A_672 : vector<16xf32> to vector<16xf32>
        %swap3A_674 = vector.shape_cast %add3A_670 : vector<16xf32> to vector<16xf32>
        tpu.vector_store %arg6[%swap3A_671], %swap3A_674 {strides = array<i32>} : memref<65536xf32, #tpu.memory_space<vmem>>, vector<16xf32>,
        %add3A_675 = arith.constant 48 : i32
        %add3A_676 = arith.addi %mul3A_644, %add3A_675 : i32
        %get3A_677 = arith.index_cast %add3A_676 : i32 to index
        %get3A_678 = tpu.vector_load %arg6[%get3A_677] {strides = array<i32>} : memref<65536xf32, #tpu.memory_space<vmem>>, vector<16xf32>,
        %get3A_679 = vector.shape_cast %get3A_678 : vector<16xf32> to vector<16xf32>
        %add3A_680 = arith.addf %get3A_679, %get3A_642 : vector<16xf32>
        %swap3A_681 = arith.index_cast %add3A_676 : i32 to index
        %swap3A_682 = tpu.vector_load %arg6[%swap3A_681] {strides = array<i32>} : memref<65536xf32, #tpu.memory_space<vmem>>, vector<16xf32>,
        %swap3A_683 = vector.shape_cast %swap3A_682 : vector<16xf32> to vector<16xf32>
        %swap3A_684 = vector.shape_cast %add3A_680 : vector<16xf32> to vector<16xf32>
        tpu.vector_store %arg6[%swap3A_681], %swap3A_684 {strides = array<i32>} : memref<65536xf32, #tpu.memory_space<vmem>>, vector<16xf32>,
        %add3A_685 = arith.constant 64 : i32
        %add3A_686 = arith.addi %mul3A_644, %add3A_685 : i32
        %get3A_687 = arith.index_cast %add3A_686 : i32 to index
        %get3A_688 = tpu.vector_load %arg6[%get3A_687] {strides = array<i32>} : memref<65536xf32, #tpu.memory_space<vmem>>, vector<16xf32>,
        %get3A_689 = vector.shape_cast %get3A_688 : vector<16xf32> to vector<16xf32>
        %add3A_690 = arith.addf %get3A_689, %get3A_642 : vector<16xf32>
        %swap3A_691 = arith.index_cast %add3A_686 : i32 to index
        %swap3A_692 = tpu.vector_load %arg6[%swap3A_691] {strides = array<i32>} : memref<65536xf32, #tpu.memory_space<vmem>>, vector<16xf32>,
        %swap3A_693 = vector.shape_cast %swap3A_692 : vector<16xf32> to vector<16xf32>
        %swap3A_694 = vector.shape_cast %add3A_690 : vector<16xf32> to vector<16xf32>
        tpu.vector_store %arg6[%swap3A_691], %swap3A_694 {strides = array<i32>} : memref<65536xf32, #tpu.memory_space<vmem>>, vector<16xf32>,
        %add3A_695 = arith.constant 80 : i32
        %add3A_696 = arith.addi %mul3A_644, %add3A_695 : i32
        %get3A_697 = arith.index_cast %add3A_696 : i32 to index
        %get3A_698 = tpu.vector_load %arg6[%get3A_697] {strides = array<i32>} : memref<65536xf32, #tpu.memory_space<vmem>>, vector<16xf32>,
        %get3A_699 = vector.shape_cast %get3A_698 : vector<16xf32> to vector<16xf32>
        %add3A_700 = arith.addf %get3A_699, %get3A_642 : vector<16xf32>
        %swap3A_701 = arith.index_cast %add3A_696 : i32 to index
        %swap3A_702 = tpu.vector_load %arg6[%swap3A_701] {strides = array<i32>} : memref<65536xf32, #tpu.memory_space<vmem>>, vector<16xf32>,
        %swap3A_703 = vector.shape_cast %swap3A_702 : vector<16xf32> to vector<16xf32>
        %swap3A_704 = vector.shape_cast %add3A_700 : vector<16xf32> to vector<16xf32>
        tpu.vector_store %arg6[%swap3A_701], %swap3A_704 {strides = array<i32>} : memref<65536xf32, #tpu.memory_space<vmem>>, vector<16xf32>,
        %add3A_705 = arith.constant 96 : i32
        %add3A_706 = arith.addi %mul3A_644, %add3A_705 : i32
        %get3A_707 = arith.index_cast %add3A_706 : i32 to index
        %get3A_708 = tpu.vector_load %arg6[%get3A_707] {strides = array<i32>} : memref<65536xf32, #tpu.memory_space<vmem>>, vector<16xf32>,
        %get3A_709 = vector.shape_cast %get3A_708 : vector<16xf32> to vector<16xf32>
        %add3A_710 = arith.addf %get3A_709, %get3A_642 : vector<16xf32>
        %swap3A_711 = arith.index_cast %add3A_706 : i32 to index
        %swap3A_712 = tpu.vector_load %arg6[%swap3A_711] {strides = array<i32>} : memref<65536xf32, #tpu.memory_space<vmem>>, vector<16xf32>,
        %swap3A_713 = vector.shape_cast %swap3A_712 : vector<16xf32> to vector<16xf32>
        %swap3A_714 = vector.shape_cast %add3A_710 : vector<16xf32> to vector<16xf32>
        tpu.vector_store %arg6[%swap3A_711], %swap3A_714 {strides = array<i32>} : memref<65536xf32, #tpu.memory_space<vmem>>, vector<16xf32>,
        %add3A_715 = arith.constant 112 : i32
        %add3A_716 = arith.addi %mul3A_644, %add3A_715 : i32
        %get3A_717 = arith.index_cast %add3A_716 : i32 to index
        %get3A_718 = tpu.vector_load %arg6[%get3A_717] {strides = array<i32>} : memref<65536xf32, #tpu.memory_space<vmem>>, vector<16xf32>,
        %get3A_719 = vector.shape_cast %get3A_718 : vector<16xf32> to vector<16xf32>
        %add3A_720 = arith.addf %get3A_719, %get3A_642 : vector<16xf32>
        %swap3A_721 = arith.index_cast %add3A_716 : i32 to index
        %swap3A_722 = tpu.vector_load %arg6[%swap3A_721] {strides = array<i32>} : memref<65536xf32, #tpu.memory_space<vmem>>, vector<16xf32>,
        %swap3A_723 = vector.shape_cast %swap3A_722 : vector<16xf32> to vector<16xf32>
        %swap3A_724 = vector.shape_cast %add3A_720 : vector<16xf32> to vector<16xf32>
        tpu.vector_store %arg6[%swap3A_721], %swap3A_724 {strides = array<i32>} : memref<65536xf32, #tpu.memory_space<vmem>>, vector<16xf32>,
      }
      %scan3A_17 = arith.constant 512 : i32
      %mul3A_18 = arith.constant 4 : i32
      %mul3A_19 = arith.muli %add3A_9, %mul3A_18 : i32
      %mul3A_20 = arith.constant 65536 : i32
      %mul3A_21 = arith.muli %mul3A_19, %mul3A_20 : i32
      %add3A_22 = arith.constant 0 : i32
      %add3A_23 = arith.addi %mul3A_21, %add3A_22 : i32
      %dma_start3A = tpu.memref_slice %arg2[%add3A_23] : memref<33554432xf32, #tpu.memory_space<hbm>> -> memref<8192xf32, #tpu.memory_space<hbm>>
      %dma_start3A_24 = tpu.memref_slice %arg2[%add3A_23] : memref<33554432xf32, #tpu.memory_space<hbm>> -> memref<8192xf32, #tpu.memory_space<hbm>>
      tpu.enqueue_dma source(%dma_start3A_24 : memref<8192xf32, #tpu.memory_space<hbm>>) target(%arg8 : memref<8192xf32, #tpu.memory_space<vmem>>) target_semaphore(%arg12 : memref<!tpu.dma_semaphore, #tpu.memory_space<semaphore_mem>>)
      %add3A_25 = arith.constant 8192 : i32
      %add3A_26 = arith.addi %mul3A_21, %add3A_25 : i32
      %dma_start3A_27 = tpu.memref_slice %arg2[%add3A_26] : memref<33554432xf32, #tpu.memory_space<hbm>> -> memref<8192xf32, #tpu.memory_space<hbm>>
      %dma_start3A_28 = tpu.memref_slice %arg2[%add3A_26] : memref<33554432xf32, #tpu.memory_space<hbm>> -> memref<8192xf32, #tpu.memory_space<hbm>>
      tpu.enqueue_dma source(%dma_start3A_28 : memref<8192xf32, #tpu.memory_space<hbm>>) target(%arg9 : memref<8192xf32, #tpu.memory_space<vmem>>) target_semaphore(%arg13 : memref<!tpu.dma_semaphore, #tpu.memory_space<semaphore_mem>>)
      %scan3A_29 = arith.constant 0 : i32
      %scan3A_30 = arith.constant 0 : i32
      %scan3A_31 = arith.constant 16 : i32
      %scan3A_32 = arith.addi %scan3A_30, %scan3A_31 : i32
      %scan3A_33 = arith.constant 1 : i32
      scf.for %scan3A_38 = %scan3A_30 to %scan3A_32 step %scan3A_33  : i32 {
        %mul3A_39 = arith.constant 2 : i32
        %mul3A_40 = arith.muli %scan3A_38, %mul3A_39 : i32
        %add3A_41 = arith.constant 0 : i32
        %add3A_42 = arith.addi %mul3A_40, %add3A_41 : i32
        %mul3A_43 = arith.constant 8192 : i32
        %mul3A_44 = arith.muli %add3A_42, %mul3A_43 : i32
        %add3A_45 = arith.addi %mul3A_21, %mul3A_44 : i32
        %jit3A = arith.constant 8 : i32
        %eq3A = arith.constant 0 : i32
        %eq3A_46 = arith.cmpi eq, %jit3A, %eq3A : i32
        %jit3A_47 = arith.constant 1 : i32
        %select_n3A = arith.select %eq3A_46, %jit3A_47, %jit3A : i32
        %rem3A = arith.remsi %add3A_42, %select_n3A : i32
        %ne3A = arith.constant 0 : i32
        %ne3A_48 = arith.cmpi ne, %rem3A, %ne3A : i32
        %lt3A = arith.constant 0 : i32
        %lt3A_49 = arith.cmpi slt, %rem3A, %lt3A : i32
        %lt3A_50 = arith.constant 0 : i32
        %lt3A_51 = arith.cmpi slt, %select_n3A, %lt3A_50 : i32
        %ne3A_52 = arith.xori %lt3A_49, %lt3A_51 : i1
        %and3A = arith.andi %ne3A_52, %ne3A_48 : i1
        %add3A_53 = arith.addi %rem3A, %select_n3A : i32
        %select_n3A_54 = arith.select %and3A, %add3A_53, %rem3A : i32
        %mul3A_55 = arith.constant 8192 : i32
        %mul3A_56 = arith.muli %select_n3A_54, %mul3A_55 : i32
        %dma_wait3A_57 = tpu.memref_slice %arg2[%add3A_45] : memref<33554432xf32, #tpu.memory_space<hbm>> -> memref<8192xf32, #tpu.memory_space<hbm>>
        %dma_wait3A_58 = tpu.memref_slice %arg2[%add3A_45] : memref<33554432xf32, #tpu.memory_space<hbm>> -> memref<8192xf32, #tpu.memory_space<hbm>>
        tpu.wait_dma2 semaphore(%arg12 : memref<!tpu.dma_semaphore, #tpu.memory_space<semaphore_mem>>) src(%dma_wait3A_58 : memref<8192xf32, #tpu.memory_space<hbm>>) dst(%arg8 : memref<8192xf32, #tpu.memory_space<vmem>>)
        %gt3A = arith.constant 0 : i32
        %gt3A_59 = arith.cmpi sgt, %scan3A_38, %gt3A : i32
        %convert_element_type3A = arith.extui %gt3A_59 : i1 to i32
        %cond3A = arith.constant 0 : i32
        %cond3A_60 = arith.cmpi ne, %convert_element_type3A, %cond3A : i32
        scf.if %cond3A_60 {
          %dma_wait3A_123 = tpu.memref_slice %arg5[%add3A_45] : memref<33554432xf32, #tpu.memory_space<hbm>> -> memref<8192xf32, #tpu.memory_space<hbm>>
          %dma_wait3A_124 = tpu.memref_slice %arg5[%add3A_45] : memref<33554432xf32, #tpu.memory_space<hbm>> -> memref<8192xf32, #tpu.memory_space<hbm>>
          tpu.wait_dma2 semaphore(%arg14 : memref<!tpu.dma_semaphore, #tpu.memory_space<semaphore_mem>>) src(%arg10 : memref<8192xf32, #tpu.memory_space<vmem>>) dst(%dma_wait3A_124 : memref<8192xf32, #tpu.memory_space<hbm>>)
        } else {
        }
        %scan3A_61 = arith.constant 0 : i32
        %scan3A_62 = arith.constant 0 : i32
        %scan3A_63 = arith.constant 512 : i32
        %scan3A_64 = arith.addi %scan3A_62, %scan3A_63 : i32
        %scan3A_65 = arith.constant 8 : i32
        scf.for %scan3A_123 = %scan3A_62 to %scan3A_64 step %scan3A_65  : i32 {
          %mul3A_124 = arith.constant 16 : i32
          %mul3A_125 = arith.muli %scan3A_123, %mul3A_124 : i32
          %get3A = arith.index_cast %mul3A_125 : i32 to index
          %get3A_126 = tpu.vector_load %arg8[%get3A] {strides = array<i32>} : memref<8192xf32, #tpu.memory_space<vmem>>, vector<16xf32>,
          %get3A_127 = vector.shape_cast %get3A_126 : vector<16xf32> to vector<16xf32>
          %mul3A_128 = arith.constant 16 : i32
          %mul3A_129 = arith.muli %scan3A_123, %mul3A_128 : i32
          %add3A_130 = arith.addi %mul3A_56, %mul3A_129 : i32
          %get3A_131 = arith.index_cast %add3A_130 : i32 to index
          %get3A_132 = tpu.vector_load %arg6[%get3A_131] {strides = array<i32>} : memref<65536xf32, #tpu.memory_space<vmem>>, vector<16xf32>,
          %get3A_133 = vector.shape_cast %get3A_132 : vector<16xf32> to vector<16xf32>
          %add3A_134 = arith.addf %get3A_127, %get3A_133 : vector<16xf32>
          %swap3A = arith.index_cast %mul3A_125 : i32 to index
          %swap3A_135 = tpu.vector_load %arg10[%swap3A] {strides = array<i32>} : memref<8192xf32, #tpu.memory_space<vmem>>, vector<16xf32>,
          %swap3A_136 = vector.shape_cast %swap3A_135 : vector<16xf32> to vector<16xf32>
          %swap3A_137 = vector.shape_cast %add3A_134 : vector<16xf32> to vector<16xf32>
          tpu.vector_store %arg10[%swap3A], %swap3A_137 {strides = array<i32>} : memref<8192xf32, #tpu.memory_space<vmem>>, vector<16xf32>,
          %scan3A_138 = arith.constant 1 : i32
          %scan3A_139 = arith.addi %scan3A_123, %scan3A_138 : i32
          %mul3A_140 = arith.constant 16 : i32
          %mul3A_141 = arith.muli %scan3A_139, %mul3A_140 : i32
          %get3A_142 = arith.index_cast %mul3A_141 : i32 to index
          %get3A_143 = tpu.vector_load %arg8[%get3A_142] {strides = array<i32>} : memref<8192xf32, #tpu.memory_space<vmem>>, vector<16xf32>,
          %get3A_144 = vector.shape_cast %get3A_143 : vector<16xf32> to vector<16xf32>
          %mul3A_145 = arith.constant 16 : i32
          %mul3A_146 = arith.muli %scan3A_139, %mul3A_145 : i32
          %add3A_147 = arith.addi %mul3A_56, %mul3A_146 : i32
          %get3A_148 = arith.index_cast %add3A_147 : i32 to index
          %get3A_149 = tpu.vector_load %arg6[%get3A_148] {strides = array<i32>} : memref<65536xf32, #tpu.memory_space<vmem>>, vector<16xf32>,
          %get3A_150 = vector.shape_cast %get3A_149 : vector<16xf32> to vector<16xf32>
          %add3A_151 = arith.addf %get3A_144, %get3A_150 : vector<16xf32>
          %swap3A_152 = arith.index_cast %mul3A_141 : i32 to index
          %swap3A_153 = tpu.vector_load %arg10[%swap3A_152] {strides = array<i32>} : memref<8192xf32, #tpu.memory_space<vmem>>, vector<16xf32>,
          %swap3A_154 = vector.shape_cast %swap3A_153 : vector<16xf32> to vector<16xf32>
          %swap3A_155 = vector.shape_cast %add3A_151 : vector<16xf32> to vector<16xf32>
          tpu.vector_store %arg10[%swap3A_152], %swap3A_155 {strides = array<i32>} : memref<8192xf32, #tpu.memory_space<vmem>>, vector<16xf32>,
          %scan3A_156 = arith.constant 2 : i32
          %scan3A_157 = arith.addi %scan3A_123, %scan3A_156 : i32
          %mul3A_158 = arith.constant 16 : i32
          %mul3A_159 = arith.muli %scan3A_157, %mul3A_158 : i32
          %get3A_160 = arith.index_cast %mul3A_159 : i32 to index
          %get3A_161 = tpu.vector_load %arg8[%get3A_160] {strides = array<i32>} : memref<8192xf32, #tpu.memory_space<vmem>>, vector<16xf32>,
          %get3A_162 = vector.shape_cast %get3A_161 : vector<16xf32> to vector<16xf32>
          %mul3A_163 = arith.constant 16 : i32
          %mul3A_164 = arith.muli %scan3A_157, %mul3A_163 : i32
          %add3A_165 = arith.addi %mul3A_56, %mul3A_164 : i32
          %get3A_166 = arith.index_cast %add3A_165 : i32 to index
          %get3A_167 = tpu.vector_load %arg6[%get3A_166] {strides = array<i32>} : memref<65536xf32, #tpu.memory_space<vmem>>, vector<16xf32>,
          %get3A_168 = vector.shape_cast %get3A_167 : vector<16xf32> to vector<16xf32>
          %add3A_169 = arith.addf %get3A_162, %get3A_168 : vector<16xf32>
          %swap3A_170 = arith.index_cast %mul3A_159 : i32 to index
          %swap3A_171 = tpu.vector_load %arg10[%swap3A_170] {strides = array<i32>} : memref<8192xf32, #tpu.memory_space<vmem>>, vector<16xf32>,
          %swap3A_172 = vector.shape_cast %swap3A_171 : vector<16xf32> to vector<16xf32>
          %swap3A_173 = vector.shape_cast %add3A_169 : vector<16xf32> to vector<16xf32>
          tpu.vector_store %arg10[%swap3A_170], %swap3A_173 {strides = array<i32>} : memref<8192xf32, #tpu.memory_space<vmem>>, vector<16xf32>,
          %scan3A_174 = arith.constant 3 : i32
          %scan3A_175 = arith.addi %scan3A_123, %scan3A_174 : i32
          %mul3A_176 = arith.constant 16 : i32
          %mul3A_177 = arith.muli %scan3A_175, %mul3A_176 : i32
          %get3A_178 = arith.index_cast %mul3A_177 : i32 to index
          %get3A_179 = tpu.vector_load %arg8[%get3A_178] {strides = array<i32>} : memref<8192xf32, #tpu.memory_space<vmem>>, vector<16xf32>,
          %get3A_180 = vector.shape_cast %get3A_179 : vector<16xf32> to vector<16xf32>
          %mul3A_181 = arith.constant 16 : i32
          %mul3A_182 = arith.muli %scan3A_175, %mul3A_181 : i32
          %add3A_183 = arith.addi %mul3A_56, %mul3A_182 : i32
          %get3A_184 = arith.index_cast %add3A_183 : i32 to index
          %get3A_185 = tpu.vector_load %arg6[%get3A_184] {strides = array<i32>} : memref<65536xf32, #tpu.memory_space<vmem>>, vector<16xf32>,
          %get3A_186 = vector.shape_cast %get3A_185 : vector<16xf32> to vector<16xf32>
          %add3A_187 = arith.addf %get3A_180, %get3A_186 : vector<16xf32>
          %swap3A_188 = arith.index_cast %mul3A_177 : i32 to index
          %swap3A_189 = tpu.vector_load %arg10[%swap3A_188] {strides = array<i32>} : memref<8192xf32, #tpu.memory_space<vmem>>, vector<16xf32>,
          %swap3A_190 = vector.shape_cast %swap3A_189 : vector<16xf32> to vector<16xf32>
          %swap3A_191 = vector.shape_cast %add3A_187 : vector<16xf32> to vector<16xf32>
          tpu.vector_store %arg10[%swap3A_188], %swap3A_191 {strides = array<i32>} : memref<8192xf32, #tpu.memory_space<vmem>>, vector<16xf32>,
          %scan3A_192 = arith.constant 4 : i32
          %scan3A_193 = arith.addi %scan3A_123, %scan3A_192 : i32
          %mul3A_194 = arith.constant 16 : i32
          %mul3A_195 = arith.muli %scan3A_193, %mul3A_194 : i32
          %get3A_196 = arith.index_cast %mul3A_195 : i32 to index
          %get3A_197 = tpu.vector_load %arg8[%get3A_196] {strides = array<i32>} : memref<8192xf32, #tpu.memory_space<vmem>>, vector<16xf32>,
          %get3A_198 = vector.shape_cast %get3A_197 : vector<16xf32> to vector<16xf32>
          %mul3A_199 = arith.constant 16 : i32
          %mul3A_200 = arith.muli %scan3A_193, %mul3A_199 : i32
          %add3A_201 = arith.addi %mul3A_56, %mul3A_200 : i32
          %get3A_202 = arith.index_cast %add3A_201 : i32 to index
          %get3A_203 = tpu.vector_load %arg6[%get3A_202] {strides = array<i32>} : memref<65536xf32, #tpu.memory_space<vmem>>, vector<16xf32>,
          %get3A_204 = vector.shape_cast %get3A_203 : vector<16xf32> to vector<16xf32>
          %add3A_205 = arith.addf %get3A_198, %get3A_204 : vector<16xf32>
          %swap3A_206 = arith.index_cast %mul3A_195 : i32 to index
          %swap3A_207 = tpu.vector_load %arg10[%swap3A_206] {strides = array<i32>} : memref<8192xf32, #tpu.memory_space<vmem>>, vector<16xf32>,
          %swap3A_208 = vector.shape_cast %swap3A_207 : vector<16xf32> to vector<16xf32>
          %swap3A_209 = vector.shape_cast %add3A_205 : vector<16xf32> to vector<16xf32>
          tpu.vector_store %arg10[%swap3A_206], %swap3A_209 {strides = array<i32>} : memref<8192xf32, #tpu.memory_space<vmem>>, vector<16xf32>,
          %scan3A_210 = arith.constant 5 : i32
          %scan3A_211 = arith.addi %scan3A_123, %scan3A_210 : i32
          %mul3A_212 = arith.constant 16 : i32
          %mul3A_213 = arith.muli %scan3A_211, %mul3A_212 : i32
          %get3A_214 = arith.index_cast %mul3A_213 : i32 to index
          %get3A_215 = tpu.vector_load %arg8[%get3A_214] {strides = array<i32>} : memref<8192xf32, #tpu.memory_space<vmem>>, vector<16xf32>,
          %get3A_216 = vector.shape_cast %get3A_215 : vector<16xf32> to vector<16xf32>
          %mul3A_217 = arith.constant 16 : i32
          %mul3A_218 = arith.muli %scan3A_211, %mul3A_217 : i32
          %add3A_219 = arith.addi %mul3A_56, %mul3A_218 : i32
          %get3A_220 = arith.index_cast %add3A_219 : i32 to index
          %get3A_221 = tpu.vector_load %arg6[%get3A_220] {strides = array<i32>} : memref<65536xf32, #tpu.memory_space<vmem>>, vector<16xf32>,
          %get3A_222 = vector.shape_cast %get3A_221 : vector<16xf32> to vector<16xf32>
          %add3A_223 = arith.addf %get3A_216, %get3A_222 : vector<16xf32>
          %swap3A_224 = arith.index_cast %mul3A_213 : i32 to index
          %swap3A_225 = tpu.vector_load %arg10[%swap3A_224] {strides = array<i32>} : memref<8192xf32, #tpu.memory_space<vmem>>, vector<16xf32>,
          %swap3A_226 = vector.shape_cast %swap3A_225 : vector<16xf32> to vector<16xf32>
          %swap3A_227 = vector.shape_cast %add3A_223 : vector<16xf32> to vector<16xf32>
          tpu.vector_store %arg10[%swap3A_224], %swap3A_227 {strides = array<i32>} : memref<8192xf32, #tpu.memory_space<vmem>>, vector<16xf32>,
          %scan3A_228 = arith.constant 6 : i32
          %scan3A_229 = arith.addi %scan3A_123, %scan3A_228 : i32
          %mul3A_230 = arith.constant 16 : i32
          %mul3A_231 = arith.muli %scan3A_229, %mul3A_230 : i32
          %get3A_232 = arith.index_cast %mul3A_231 : i32 to index
          %get3A_233 = tpu.vector_load %arg8[%get3A_232] {strides = array<i32>} : memref<8192xf32, #tpu.memory_space<vmem>>, vector<16xf32>,
          %get3A_234 = vector.shape_cast %get3A_233 : vector<16xf32> to vector<16xf32>
          %mul3A_235 = arith.constant 16 : i32
          %mul3A_236 = arith.muli %scan3A_229, %mul3A_235 : i32
          %add3A_237 = arith.addi %mul3A_56, %mul3A_236 : i32
          %get3A_238 = arith.index_cast %add3A_237 : i32 to index
          %get3A_239 = tpu.vector_load %arg6[%get3A_238] {strides = array<i32>} : memref<65536xf32, #tpu.memory_space<vmem>>, vector<16xf32>,
          %get3A_240 = vector.shape_cast %get3A_239 : vector<16xf32> to vector<16xf32>
          %add3A_241 = arith.addf %get3A_234, %get3A_240 : vector<16xf32>
          %swap3A_242 = arith.index_cast %mul3A_231 : i32 to index
          %swap3A_243 = tpu.vector_load %arg10[%swap3A_242] {strides = array<i32>} : memref<8192xf32, #tpu.memory_space<vmem>>, vector<16xf32>,
          %swap3A_244 = vector.shape_cast %swap3A_243 : vector<16xf32> to vector<16xf32>
          %swap3A_245 = vector.shape_cast %add3A_241 : vector<16xf32> to vector<16xf32>
          tpu.vector_store %arg10[%swap3A_242], %swap3A_245 {strides = array<i32>} : memref<8192xf32, #tpu.memory_space<vmem>>, vector<16xf32>,
          %scan3A_246 = arith.constant 7 : i32
          %scan3A_247 = arith.addi %scan3A_123, %scan3A_246 : i32
          %mul3A_248 = arith.constant 16 : i32
          %mul3A_249 = arith.muli %scan3A_247, %mul3A_248 : i32
          %get3A_250 = arith.index_cast %mul3A_249 : i32 to index
          %get3A_251 = tpu.vector_load %arg8[%get3A_250] {strides = array<i32>} : memref<8192xf32, #tpu.memory_space<vmem>>, vector<16xf32>,
          %get3A_252 = vector.shape_cast %get3A_251 : vector<16xf32> to vector<16xf32>
          %mul3A_253 = arith.constant 16 : i32
          %mul3A_254 = arith.muli %scan3A_247, %mul3A_253 : i32
          %add3A_255 = arith.addi %mul3A_56, %mul3A_254 : i32
          %get3A_256 = arith.index_cast %add3A_255 : i32 to index
          %get3A_257 = tpu.vector_load %arg6[%get3A_256] {strides = array<i32>} : memref<65536xf32, #tpu.memory_space<vmem>>, vector<16xf32>,
          %get3A_258 = vector.shape_cast %get3A_257 : vector<16xf32> to vector<16xf32>
          %add3A_259 = arith.addf %get3A_252, %get3A_258 : vector<16xf32>
          %swap3A_260 = arith.index_cast %mul3A_249 : i32 to index
          %swap3A_261 = tpu.vector_load %arg10[%swap3A_260] {strides = array<i32>} : memref<8192xf32, #tpu.memory_space<vmem>>, vector<16xf32>,
          %swap3A_262 = vector.shape_cast %swap3A_261 : vector<16xf32> to vector<16xf32>
          %swap3A_263 = vector.shape_cast %add3A_259 : vector<16xf32> to vector<16xf32>
          tpu.vector_store %arg10[%swap3A_260], %swap3A_263 {strides = array<i32>} : memref<8192xf32, #tpu.memory_space<vmem>>, vector<16xf32>,
        }
        %scan3A_66 = arith.constant 512 : i32
        %dma_start3A_67 = tpu.memref_slice %arg5[%add3A_45] : memref<33554432xf32, #tpu.memory_space<hbm>> -> memref<8192xf32, #tpu.memory_space<hbm>>
        %dma_start3A_68 = tpu.memref_slice %arg5[%add3A_45] : memref<33554432xf32, #tpu.memory_space<hbm>> -> memref<8192xf32, #tpu.memory_space<hbm>>
        tpu.enqueue_dma source(%arg8 : memref<8192xf32, #tpu.memory_space<vmem>>) target(%dma_start3A_68 : memref<8192xf32, #tpu.memory_space<hbm>>) target_semaphore(%arg14 : memref<!tpu.dma_semaphore, #tpu.memory_space<semaphore_mem>>)
        %add3A_69 = arith.constant 2 : i32
        %add3A_70 = arith.addi %add3A_42, %add3A_69 : i32
        %lt3A_71 = arith.constant 32 : i32
        %lt3A_72 = arith.cmpi slt, %add3A_70, %lt3A_71 : i32
        %convert_element_type3A_73 = arith.extui %lt3A_72 : i1 to i32
        %cond3A_74 = arith.constant 0 : i32
        %cond3A_75 = arith.cmpi ne, %convert_element_type3A_73, %cond3A_74 : i32
        scf.if %cond3A_75 {
          %add3A_123 = arith.constant 16384 : i32
          %add3A_124 = arith.addi %add3A_45, %add3A_123 : i32
          %dma_start3A_125 = tpu.memref_slice %arg2[%add3A_124] : memref<33554432xf32, #tpu.memory_space<hbm>> -> memref<8192xf32, #tpu.memory_space<hbm>>
          %dma_start3A_126 = tpu.memref_slice %arg2[%add3A_124] : memref<33554432xf32, #tpu.memory_space<hbm>> -> memref<8192xf32, #tpu.memory_space<hbm>>
          tpu.enqueue_dma source(%dma_start3A_126 : memref<8192xf32, #tpu.memory_space<hbm>>) target(%arg8 : memref<8192xf32, #tpu.memory_space<vmem>>) target_semaphore(%arg12 : memref<!tpu.dma_semaphore, #tpu.memory_space<semaphore_mem>>)
        } else {
        }
        %mul3A_76 = arith.constant 2 : i32
        %mul3A_77 = arith.muli %scan3A_38, %mul3A_76 : i32
        %add3A_78 = arith.constant 1 : i32
        %add3A_79 = arith.addi %mul3A_77, %add3A_78 : i32
        %mul3A_80 = arith.constant 8192 : i32
        %mul3A_81 = arith.muli %add3A_79, %mul3A_80 : i32
        %add3A_82 = arith.addi %mul3A_21, %mul3A_81 : i32
        %jit3A_83 = arith.constant 8 : i32
        %eq3A_84 = arith.constant 0 : i32
        %eq3A_85 = arith.cmpi eq, %jit3A_83, %eq3A_84 : i32
        %jit3A_86 = arith.constant 1 : i32
        %select_n3A_87 = arith.select %eq3A_85, %jit3A_86, %jit3A_83 : i32
        %rem3A_88 = arith.remsi %add3A_79, %select_n3A_87 : i32
        %ne3A_89 = arith.constant 0 : i32
        %ne3A_90 = arith.cmpi ne, %rem3A_88, %ne3A_89 : i32
        %lt3A_91 = arith.constant 0 : i32
        %lt3A_92 = arith.cmpi slt, %rem3A_88, %lt3A_91 : i32
        %lt3A_93 = arith.constant 0 : i32
        %lt3A_94 = arith.cmpi slt, %select_n3A_87, %lt3A_93 : i32
        %ne3A_95 = arith.xori %lt3A_92, %lt3A_94 : i1
        %and3A_96 = arith.andi %ne3A_95, %ne3A_90 : i1
        %add3A_97 = arith.addi %rem3A_88, %select_n3A_87 : i32
        %select_n3A_98 = arith.select %and3A_96, %add3A_97, %rem3A_88 : i32
        %mul3A_99 = arith.constant 8192 : i32
        %mul3A_100 = arith.muli %select_n3A_98, %mul3A_99 : i32
        %dma_wait3A_101 = tpu.memref_slice %arg2[%add3A_82] : memref<33554432xf32, #tpu.memory_space<hbm>> -> memref<8192xf32, #tpu.memory_space<hbm>>
        %dma_wait3A_102 = tpu.memref_slice %arg2[%add3A_82] : memref<33554432xf32, #tpu.memory_space<hbm>> -> memref<8192xf32, #tpu.memory_space<hbm>>
        tpu.wait_dma2 semaphore(%arg13 : memref<!tpu.dma_semaphore, #tpu.memory_space<semaphore_mem>>) src(%dma_wait3A_102 : memref<8192xf32, #tpu.memory_space<hbm>>) dst(%arg9 : memref<8192xf32, #tpu.memory_space<vmem>>)
        %gt3A_103 = arith.constant 0 : i32
        %gt3A_104 = arith.cmpi sgt, %scan3A_38, %gt3A_103 : i32
        %convert_element_type3A_105 = arith.extui %gt3A_104 : i1 to i32
        %cond3A_106 = arith.constant 0 : i32
        %cond3A_107 = arith.cmpi ne, %convert_element_type3A_105, %cond3A_106 : i32
        scf.if %cond3A_107 {
          %dma_wait3A_123 = tpu.memref_slice %arg5[%add3A_82] : memref<33554432xf32, #tpu.memory_space<hbm>> -> memref<8192xf32, #tpu.memory_space<hbm>>
          %dma_wait3A_124 = tpu.memref_slice %arg5[%add3A_82] : memref<33554432xf32, #tpu.memory_space<hbm>> -> memref<8192xf32, #tpu.memory_space<hbm>>
          tpu.wait_dma2 semaphore(%arg15 : memref<!tpu.dma_semaphore, #tpu.memory_space<semaphore_mem>>) src(%arg11 : memref<8192xf32, #tpu.memory_space<vmem>>) dst(%dma_wait3A_124 : memref<8192xf32, #tpu.memory_space<hbm>>)
        } else {
        }
        %scan3A_108 = arith.constant 0 : i32
        %scan3A_109 = arith.constant 0 : i32
        %scan3A_110 = arith.constant 512 : i32
        %scan3A_111 = arith.addi %scan3A_109, %scan3A_110 : i32
        %scan3A_112 = arith.constant 8 : i32
        scf.for %scan3A_123 = %scan3A_109 to %scan3A_111 step %scan3A_112  : i32 {
          %mul3A_124 = arith.constant 16 : i32
          %mul3A_125 = arith.muli %scan3A_123, %mul3A_124 : i32
          %get3A = arith.index_cast %mul3A_125 : i32 to index
          %get3A_126 = tpu.vector_load %arg9[%get3A] {strides = array<i32>} : memref<8192xf32, #tpu.memory_space<vmem>>, vector<16xf32>,
          %get3A_127 = vector.shape_cast %get3A_126 : vector<16xf32> to vector<16xf32>
          %mul3A_128 = arith.constant 16 : i32
          %mul3A_129 = arith.muli %scan3A_123, %mul3A_128 : i32
          %add3A_130 = arith.addi %mul3A_100, %mul3A_129 : i32
          %get3A_131 = arith.index_cast %add3A_130 : i32 to index
          %get3A_132 = tpu.vector_load %arg6[%get3A_131] {strides = array<i32>} : memref<65536xf32, #tpu.memory_space<vmem>>, vector<16xf32>,
          %get3A_133 = vector.shape_cast %get3A_132 : vector<16xf32> to vector<16xf32>
          %add3A_134 = arith.addf %get3A_127, %get3A_133 : vector<16xf32>
          %swap3A = arith.index_cast %mul3A_125 : i32 to index
          %swap3A_135 = tpu.vector_load %arg11[%swap3A] {strides = array<i32>} : memref<8192xf32, #tpu.memory_space<vmem>>, vector<16xf32>,
          %swap3A_136 = vector.shape_cast %swap3A_135 : vector<16xf32> to vector<16xf32>
          %swap3A_137 = vector.shape_cast %add3A_134 : vector<16xf32> to vector<16xf32>
          tpu.vector_store %arg11[%swap3A], %swap3A_137 {strides = array<i32>} : memref<8192xf32, #tpu.memory_space<vmem>>, vector<16xf32>,
          %scan3A_138 = arith.constant 1 : i32
          %scan3A_139 = arith.addi %scan3A_123, %scan3A_138 : i32
          %mul3A_140 = arith.constant 16 : i32
          %mul3A_141 = arith.muli %scan3A_139, %mul3A_140 : i32
          %get3A_142 = arith.index_cast %mul3A_141 : i32 to index
          %get3A_143 = tpu.vector_load %arg9[%get3A_142] {strides = array<i32>} : memref<8192xf32, #tpu.memory_space<vmem>>, vector<16xf32>,
          %get3A_144 = vector.shape_cast %get3A_143 : vector<16xf32> to vector<16xf32>
          %mul3A_145 = arith.constant 16 : i32
          %mul3A_146 = arith.muli %scan3A_139, %mul3A_145 : i32
          %add3A_147 = arith.addi %mul3A_100, %mul3A_146 : i32
          %get3A_148 = arith.index_cast %add3A_147 : i32 to index
          %get3A_149 = tpu.vector_load %arg6[%get3A_148] {strides = array<i32>} : memref<65536xf32, #tpu.memory_space<vmem>>, vector<16xf32>,
          %get3A_150 = vector.shape_cast %get3A_149 : vector<16xf32> to vector<16xf32>
          %add3A_151 = arith.addf %get3A_144, %get3A_150 : vector<16xf32>
          %swap3A_152 = arith.index_cast %mul3A_141 : i32 to index
          %swap3A_153 = tpu.vector_load %arg11[%swap3A_152] {strides = array<i32>} : memref<8192xf32, #tpu.memory_space<vmem>>, vector<16xf32>,
          %swap3A_154 = vector.shape_cast %swap3A_153 : vector<16xf32> to vector<16xf32>
          %swap3A_155 = vector.shape_cast %add3A_151 : vector<16xf32> to vector<16xf32>
          tpu.vector_store %arg11[%swap3A_152], %swap3A_155 {strides = array<i32>} : memref<8192xf32, #tpu.memory_space<vmem>>, vector<16xf32>,
          %scan3A_156 = arith.constant 2 : i32
          %scan3A_157 = arith.addi %scan3A_123, %scan3A_156 : i32
          %mul3A_158 = arith.constant 16 : i32
          %mul3A_159 = arith.muli %scan3A_157, %mul3A_158 : i32
          %get3A_160 = arith.index_cast %mul3A_159 : i32 to index
          %get3A_161 = tpu.vector_load %arg9[%get3A_160] {strides = array<i32>} : memref<8192xf32, #tpu.memory_space<vmem>>, vector<16xf32>,
          %get3A_162 = vector.shape_cast %get3A_161 : vector<16xf32> to vector<16xf32>
          %mul3A_163 = arith.constant 16 : i32
          %mul3A_164 = arith.muli %scan3A_157, %mul3A_163 : i32
          %add3A_165 = arith.addi %mul3A_100, %mul3A_164 : i32
          %get3A_166 = arith.index_cast %add3A_165 : i32 to index
          %get3A_167 = tpu.vector_load %arg6[%get3A_166] {strides = array<i32>} : memref<65536xf32, #tpu.memory_space<vmem>>, vector<16xf32>,
          %get3A_168 = vector.shape_cast %get3A_167 : vector<16xf32> to vector<16xf32>
          %add3A_169 = arith.addf %get3A_162, %get3A_168 : vector<16xf32>
          %swap3A_170 = arith.index_cast %mul3A_159 : i32 to index
          %swap3A_171 = tpu.vector_load %arg11[%swap3A_170] {strides = array<i32>} : memref<8192xf32, #tpu.memory_space<vmem>>, vector<16xf32>,
          %swap3A_172 = vector.shape_cast %swap3A_171 : vector<16xf32> to vector<16xf32>
          %swap3A_173 = vector.shape_cast %add3A_169 : vector<16xf32> to vector<16xf32>
          tpu.vector_store %arg11[%swap3A_170], %swap3A_173 {strides = array<i32>} : memref<8192xf32, #tpu.memory_space<vmem>>, vector<16xf32>,
          %scan3A_174 = arith.constant 3 : i32
          %scan3A_175 = arith.addi %scan3A_123, %scan3A_174 : i32
          %mul3A_176 = arith.constant 16 : i32
          %mul3A_177 = arith.muli %scan3A_175, %mul3A_176 : i32
          %get3A_178 = arith.index_cast %mul3A_177 : i32 to index
          %get3A_179 = tpu.vector_load %arg9[%get3A_178] {strides = array<i32>} : memref<8192xf32, #tpu.memory_space<vmem>>, vector<16xf32>,
          %get3A_180 = vector.shape_cast %get3A_179 : vector<16xf32> to vector<16xf32>
          %mul3A_181 = arith.constant 16 : i32
          %mul3A_182 = arith.muli %scan3A_175, %mul3A_181 : i32
          %add3A_183 = arith.addi %mul3A_100, %mul3A_182 : i32
          %get3A_184 = arith.index_cast %add3A_183 : i32 to index
          %get3A_185 = tpu.vector_load %arg6[%get3A_184] {strides = array<i32>} : memref<65536xf32, #tpu.memory_space<vmem>>, vector<16xf32>,
          %get3A_186 = vector.shape_cast %get3A_185 : vector<16xf32> to vector<16xf32>
          %add3A_187 = arith.addf %get3A_180, %get3A_186 : vector<16xf32>
          %swap3A_188 = arith.index_cast %mul3A_177 : i32 to index
          %swap3A_189 = tpu.vector_load %arg11[%swap3A_188] {strides = array<i32>} : memref<8192xf32, #tpu.memory_space<vmem>>, vector<16xf32>,
          %swap3A_190 = vector.shape_cast %swap3A_189 : vector<16xf32> to vector<16xf32>
          %swap3A_191 = vector.shape_cast %add3A_187 : vector<16xf32> to vector<16xf32>
          tpu.vector_store %arg11[%swap3A_188], %swap3A_191 {strides = array<i32>} : memref<8192xf32, #tpu.memory_space<vmem>>, vector<16xf32>,
          %scan3A_192 = arith.constant 4 : i32
          %scan3A_193 = arith.addi %scan3A_123, %scan3A_192 : i32
          %mul3A_194 = arith.constant 16 : i32
          %mul3A_195 = arith.muli %scan3A_193, %mul3A_194 : i32
          %get3A_196 = arith.index_cast %mul3A_195 : i32 to index
          %get3A_197 = tpu.vector_load %arg9[%get3A_196] {strides = array<i32>} : memref<8192xf32, #tpu.memory_space<vmem>>, vector<16xf32>,
          %get3A_198 = vector.shape_cast %get3A_197 : vector<16xf32> to vector<16xf32>
          %mul3A_199 = arith.constant 16 : i32
          %mul3A_200 = arith.muli %scan3A_193, %mul3A_199 : i32
          %add3A_201 = arith.addi %mul3A_100, %mul3A_200 : i32
          %get3A_202 = arith.index_cast %add3A_201 : i32 to index
          %get3A_203 = tpu.vector_load %arg6[%get3A_202] {strides = array<i32>} : memref<65536xf32, #tpu.memory_space<vmem>>, vector<16xf32>,
          %get3A_204 = vector.shape_cast %get3A_203 : vector<16xf32> to vector<16xf32>
          %add3A_205 = arith.addf %get3A_198, %get3A_204 : vector<16xf32>
          %swap3A_206 = arith.index_cast %mul3A_195 : i32 to index
          %swap3A_207 = tpu.vector_load %arg11[%swap3A_206] {strides = array<i32>} : memref<8192xf32, #tpu.memory_space<vmem>>, vector<16xf32>,
          %swap3A_208 = vector.shape_cast %swap3A_207 : vector<16xf32> to vector<16xf32>
          %swap3A_209 = vector.shape_cast %add3A_205 : vector<16xf32> to vector<16xf32>
          tpu.vector_store %arg11[%swap3A_206], %swap3A_209 {strides = array<i32>} : memref<8192xf32, #tpu.memory_space<vmem>>, vector<16xf32>,
          %scan3A_210 = arith.constant 5 : i32
          %scan3A_211 = arith.addi %scan3A_123, %scan3A_210 : i32
          %mul3A_212 = arith.constant 16 : i32
          %mul3A_213 = arith.muli %scan3A_211, %mul3A_212 : i32
          %get3A_214 = arith.index_cast %mul3A_213 : i32 to index
          %get3A_215 = tpu.vector_load %arg9[%get3A_214] {strides = array<i32>} : memref<8192xf32, #tpu.memory_space<vmem>>, vector<16xf32>,
          %get3A_216 = vector.shape_cast %get3A_215 : vector<16xf32> to vector<16xf32>
          %mul3A_217 = arith.constant 16 : i32
          %mul3A_218 = arith.muli %scan3A_211, %mul3A_217 : i32
          %add3A_219 = arith.addi %mul3A_100, %mul3A_218 : i32
          %get3A_220 = arith.index_cast %add3A_219 : i32 to index
          %get3A_221 = tpu.vector_load %arg6[%get3A_220] {strides = array<i32>} : memref<65536xf32, #tpu.memory_space<vmem>>, vector<16xf32>,
          %get3A_222 = vector.shape_cast %get3A_221 : vector<16xf32> to vector<16xf32>
          %add3A_223 = arith.addf %get3A_216, %get3A_222 : vector<16xf32>
          %swap3A_224 = arith.index_cast %mul3A_213 : i32 to index
          %swap3A_225 = tpu.vector_load %arg11[%swap3A_224] {strides = array<i32>} : memref<8192xf32, #tpu.memory_space<vmem>>, vector<16xf32>,
          %swap3A_226 = vector.shape_cast %swap3A_225 : vector<16xf32> to vector<16xf32>
          %swap3A_227 = vector.shape_cast %add3A_223 : vector<16xf32> to vector<16xf32>
          tpu.vector_store %arg11[%swap3A_224], %swap3A_227 {strides = array<i32>} : memref<8192xf32, #tpu.memory_space<vmem>>, vector<16xf32>,
          %scan3A_228 = arith.constant 6 : i32
          %scan3A_229 = arith.addi %scan3A_123, %scan3A_228 : i32
          %mul3A_230 = arith.constant 16 : i32
          %mul3A_231 = arith.muli %scan3A_229, %mul3A_230 : i32
          %get3A_232 = arith.index_cast %mul3A_231 : i32 to index
          %get3A_233 = tpu.vector_load %arg9[%get3A_232] {strides = array<i32>} : memref<8192xf32, #tpu.memory_space<vmem>>, vector<16xf32>,
          %get3A_234 = vector.shape_cast %get3A_233 : vector<16xf32> to vector<16xf32>
          %mul3A_235 = arith.constant 16 : i32
          %mul3A_236 = arith.muli %scan3A_229, %mul3A_235 : i32
          %add3A_237 = arith.addi %mul3A_100, %mul3A_236 : i32
          %get3A_238 = arith.index_cast %add3A_237 : i32 to index
          %get3A_239 = tpu.vector_load %arg6[%get3A_238] {strides = array<i32>} : memref<65536xf32, #tpu.memory_space<vmem>>, vector<16xf32>,
          %get3A_240 = vector.shape_cast %get3A_239 : vector<16xf32> to vector<16xf32>
          %add3A_241 = arith.addf %get3A_234, %get3A_240 : vector<16xf32>
          %swap3A_242 = arith.index_cast %mul3A_231 : i32 to index
          %swap3A_243 = tpu.vector_load %arg11[%swap3A_242] {strides = array<i32>} : memref<8192xf32, #tpu.memory_space<vmem>>, vector<16xf32>,
          %swap3A_244 = vector.shape_cast %swap3A_243 : vector<16xf32> to vector<16xf32>
          %swap3A_245 = vector.shape_cast %add3A_241 : vector<16xf32> to vector<16xf32>
          tpu.vector_store %arg11[%swap3A_242], %swap3A_245 {strides = array<i32>} : memref<8192xf32, #tpu.memory_space<vmem>>, vector<16xf32>,
          %scan3A_246 = arith.constant 7 : i32
          %scan3A_247 = arith.addi %scan3A_123, %scan3A_246 : i32
          %mul3A_248 = arith.constant 16 : i32
          %mul3A_249 = arith.muli %scan3A_247, %mul3A_248 : i32
          %get3A_250 = arith.index_cast %mul3A_249 : i32 to index
          %get3A_251 = tpu.vector_load %arg9[%get3A_250] {strides = array<i32>} : memref<8192xf32, #tpu.memory_space<vmem>>, vector<16xf32>,
          %get3A_252 = vector.shape_cast %get3A_251 : vector<16xf32> to vector<16xf32>
          %mul3A_253 = arith.constant 16 : i32
          %mul3A_254 = arith.muli %scan3A_247, %mul3A_253 : i32
          %add3A_255 = arith.addi %mul3A_100, %mul3A_254 : i32
          %get3A_256 = arith.index_cast %add3A_255 : i32 to index
          %get3A_257 = tpu.vector_load %arg6[%get3A_256] {strides = array<i32>} : memref<65536xf32, #tpu.memory_space<vmem>>, vector<16xf32>,
          %get3A_258 = vector.shape_cast %get3A_257 : vector<16xf32> to vector<16xf32>
          %add3A_259 = arith.addf %get3A_252, %get3A_258 : vector<16xf32>
          %swap3A_260 = arith.index_cast %mul3A_249 : i32 to index
          %swap3A_261 = tpu.vector_load %arg11[%swap3A_260] {strides = array<i32>} : memref<8192xf32, #tpu.memory_space<vmem>>, vector<16xf32>,
          %swap3A_262 = vector.shape_cast %swap3A_261 : vector<16xf32> to vector<16xf32>
          %swap3A_263 = vector.shape_cast %add3A_259 : vector<16xf32> to vector<16xf32>
          tpu.vector_store %arg11[%swap3A_260], %swap3A_263 {strides = array<i32>} : memref<8192xf32, #tpu.memory_space<vmem>>, vector<16xf32>,
        }
        %scan3A_113 = arith.constant 512 : i32
        %dma_start3A_114 = tpu.memref_slice %arg5[%add3A_82] : memref<33554432xf32, #tpu.memory_space<hbm>> -> memref<8192xf32, #tpu.memory_space<hbm>>
        %dma_start3A_115 = tpu.memref_slice %arg5[%add3A_82] : memref<33554432xf32, #tpu.memory_space<hbm>> -> memref<8192xf32, #tpu.memory_space<hbm>>
        tpu.enqueue_dma source(%arg9 : memref<8192xf32, #tpu.memory_space<vmem>>) target(%dma_start3A_115 : memref<8192xf32, #tpu.memory_space<hbm>>) target_semaphore(%arg15 : memref<!tpu.dma_semaphore, #tpu.memory_space<semaphore_mem>>)
        %add3A_116 = arith.constant 2 : i32
        %add3A_117 = arith.addi %add3A_79, %add3A_116 : i32
        %lt3A_118 = arith.constant 32 : i32
        %lt3A_119 = arith.cmpi slt, %add3A_117, %lt3A_118 : i32
        %convert_element_type3A_120 = arith.extui %lt3A_119 : i1 to i32
        %cond3A_121 = arith.constant 0 : i32
        %cond3A_122 = arith.cmpi ne, %convert_element_type3A_120, %cond3A_121 : i32
        scf.if %cond3A_122 {
          %add3A_123 = arith.constant 16384 : i32
          %add3A_124 = arith.addi %add3A_82, %add3A_123 : i32
          %dma_start3A_125 = tpu.memref_slice %arg2[%add3A_124] : memref<33554432xf32, #tpu.memory_space<hbm>> -> memref<8192xf32, #tpu.memory_space<hbm>>
          %dma_start3A_126 = tpu.memref_slice %arg2[%add3A_124] : memref<33554432xf32, #tpu.memory_space<hbm>> -> memref<8192xf32, #tpu.memory_space<hbm>>
          tpu.enqueue_dma source(%dma_start3A_126 : memref<8192xf32, #tpu.memory_space<hbm>>) target(%arg9 : memref<8192xf32, #tpu.memory_space<vmem>>) target_semaphore(%arg13 : memref<!tpu.dma_semaphore, #tpu.memory_space<semaphore_mem>>)
        } else {
        }
      }
      %scan3A_34 = arith.constant 16 : i32
      %dma_wait3A = tpu.memref_slice %arg5[%mul3A_21] : memref<33554432xf32, #tpu.memory_space<hbm>> -> memref<8192xf32, #tpu.memory_space<hbm>>
      %dma_wait3A_35 = tpu.memref_slice %arg5[%mul3A_21] : memref<33554432xf32, #tpu.memory_space<hbm>> -> memref<8192xf32, #tpu.memory_space<hbm>>
      tpu.wait_dma2 semaphore(%arg14 : memref<!tpu.dma_semaphore, #tpu.memory_space<semaphore_mem>>) src(%arg10 : memref<8192xf32, #tpu.memory_space<vmem>>) dst(%dma_wait3A_35 : memref<8192xf32, #tpu.memory_space<hbm>>)
      %dma_wait3A_36 = tpu.memref_slice %arg5[%mul3A_21] : memref<33554432xf32, #tpu.memory_space<hbm>> -> memref<8192xf32, #tpu.memory_space<hbm>>
      %dma_wait3A_37 = tpu.memref_slice %arg5[%mul3A_21] : memref<33554432xf32, #tpu.memory_space<hbm>> -> memref<8192xf32, #tpu.memory_space<hbm>>
      tpu.wait_dma2 semaphore(%arg15 : memref<!tpu.dma_semaphore, #tpu.memory_space<semaphore_mem>>) src(%arg11 : memref<8192xf32, #tpu.memory_space<vmem>>) dst(%dma_wait3A_37 : memref<8192xf32, #tpu.memory_space<hbm>>)
    }
    %scan3A_5 = arith.constant 4 : i32
    return
  }
}

</mosaic_0001>

<sc_bundles>
// kernel: kernel.3.cloned.1.call-start
scs
__scs_entry_jumppad:
0x0: {  	(pc) =	sbr.rel $0x88, $3  }
0x1: {  	(tag) =	ssettag $0x0;
	lr =	simm.s32 $0x1  }
0x2: {  	[smem:$0x3F9E] =	sst lr;
	_ =	strace $0xD0000000  }
0x3: {  	_ = 	snop  }
0x4: {  	_ = 	snop  }
0x5: {  	_ = 	snop  }
0x6: {  	_ = 	snop  }
0x7: {  	_ = 	snop  }
__scs_overlays_trampoline_lowered:
0x8: {  	[smem:$0x3FAD] =	sst s0  }
0x9: {  	[smem:$0x3FAE] =	sst s1  }
0xa: {  	[smem:$0x3FAF] =	sst s2  }
0xb: {  	[smem:$0x3FB0] =	sst s3  }
0xc: {  	[smem:$0x3FB1] =	sst s4  }
0xd: {  	[smem:$0x3FB2] =	sst s5  }
0xe: {  	[smem:$0x3FB3] =	sst s6  }
0xf: {  	[smem:$0x3FB4] =	sst s7  }
0x10: {  	[smem:$0x3FB5] =	sst s8  }
0x11: {  	[smem:$0x3FB6] =	sst s9;
	s0 =	simm.s32 @!p0 $0x0  }
0x12: {  	s1 =	sld [smem:$0x3F9C];
	s0 =	simm.s32 @p0 $0x1  }
0x13: {  	[smem:$0x3FB7] =	sst s0;
	s0 =	simm.s32 @!p1 $0x0  }
0x14: {  	s2 =	sld [smem:$0x3F9B];
	s0 =	simm.s32 @p1 $0x1  }
0x15: {  	[smem:$0x3FB8] =	sst s0;
	s0 =	simm.s32 @!p2 $0x0  }
0x16: {  	s3 =	sld [smem:$0x3FDB];
	s0 =	simm.s32 @p2 $0x1  }
0x17: {  	s4 =	simm.s32 $0x1BF5;
	[smem:$0x3FBA] =	sst s0  }
0x18: {  	s0 =	sld [smem:$0x3F9D];
	_ =	swait.ge [sflag:s4], $0x0  }
0x19: {  	s7 =	sld [smem:$0x3F9E]  }
0x1a: {  	s8 =	sadd.s32 $0xFFFFE003, lr  }
0x1b: {  	s9 =	sadd.s32 $0xFFFFFEF7, lr;
	s5 =	simm.s32 $0xFFFFFFFF;
	p2 =	slt.u32 s8, $0xFFFFF086  }
0x1c: {  	p1 =	slt.u32 s9, $0xF7A;
	s5 =	simm.s32 @!p2 $0x0  }
0x1d: {  	s5 =	simm.s32 @p1 $0x1;
	p0 =	seq.s32 s7, s2  }
0x1e: {  	s7 =	smul.u32 @!p0 $0xF7A, s2;
	p2 =	seq.s32 @!p0 s5, $0x0  }
0x1f: {  	s9 =	smul.u32 $0xF7A, s1;
	s8 =	simm.s32 @!p0 $0x1BF5;
	p2 =	por !p2, p0  }
0x20: {  	[sflag:s8] =	ssyncset.s32 @!p0 $0xFFFFF086;
	s6 =	sadd.s32 @!p0 s3, s7;
	s7 =	simm.s32 @!p0 $0x108  }
0x21: {  	s3 =	sadd.s32 s3, s9;
	s6 =	sadd.s32 @!p0 $0x88, s6;
	s7 =	simm.s32 @p2 $0x1082  }
0x22: {  	[simem:s7], [sflag:s8] =	dma.local @!p0 [hbm:s6], $0xF7A  }
0x23: {  	s9 =	sor.u32 $0xD0000000, s2;
	s6 =	simm.s32 $0x108;
	_ =	swait.ge @!p0 [sflag:s8], $0x0  }
0x24: {  	s3 =	sadd.s32 $0x88, s3;
	s6 =	simm.s32 @!p1 $0x1082;
	[sflag:s4] =	ssyncset.s32 $0xFFFFF086  }
0x25: {  	[simem:s6], [sflag:s4] =	dma.local [hbm:s3], $0xF7A  }
0x26: {  	[smem:$0x3F9E] =	sst s1;
	(tag) =	ssettag s2;
	_ =	strace s9  }
0x27: {  	s1 =	sld [smem:$0x3FAE]  }
0x28: {  	s2 =	sld [smem:$0x3FAF]  }
0x29: {  	s4 =	sld [smem:$0x3FB1]  }
0x2a: {  	p0 =	seq.s32 s5, $0x0;
	s5 =	sld [smem:$0x3FB2]  }
0x2b: {  	s6 =	sld [smem:$0x3FB3]  }
0x2c: {  	s7 =	sld [smem:$0x3FB4]  }
0x2d: {  	s3 =	simm.s32 $0x108;
	s8 =	sld [smem:$0x3FB5]  }
0x2e: {  	s3 =	simm.s32 @!p0 $0x1082;
	s9 =	sld [smem:$0x3FB6]  }
0x2f: {  	lr =	sadd.s32 s0, s3;
	s0 =	sld [smem:$0x3FAD]  }
0x30: {  	s3 =	sld [smem:$0x3FB0]  }
0x31: {  	[smem:$0x3FB9] =	sst s10  }
0x32: {  	s10 =	sld [smem:$0x3FB7];
	_ =	sdelay $0x3  }
0x33: {  	p0 =	seq.s32 s10, $0x1;
	s10 =	sld [smem:$0x3FB9];
	_ =	sdelay $0x3  }
0x34: {  	[smem:$0x3FB9] =	sst s10  }
0x35: {  	s10 =	sld [smem:$0x3FB8];
	_ =	sdelay $0x3  }
0x36: {  	p1 =	seq.s32 s10, $0x1;
	s10 =	sld [smem:$0x3FB9];
	_ =	sdelay $0x3  }
0x37: {  	[smem:$0x3FB9] =	sst s10  }
0x38: {  	s10 =	sld [smem:$0x3FBA]  }
0x39: {  	_ = 	snop;
	(pc) =	sbr.ind lr, $3  }
0x3a: {  	_ = 	snop  }
0x3b: {  	_ = 	snop  }
0x3c: {  	p2 =	seq.s32 s10, $0x1;
	s10 =	sld [smem:$0x3FB9]  }
0x3d: {  	_ =	shalt  }
0x3e: {  	_ =	shalt  }
0x3f: {  	_ =	shalt  }
0x40: {  	_ =	shalt  }
0x41: {  	_ =	shalt  }
0x42: {  	_ =	shalt  }
0x43: {  	_ =	shalt  }
0x44: {  	_ =	shalt  }
0x45: {  	_ =	shalt  }
0x46: {  	_ =	shalt  }
0x47: {  	_ =	shalt  }
0x48: {  	_ =	shalt  }
0x49: {  	_ =	shalt  }
0x4a: {  	_ =	shalt  }
0x4b: {  	_ =	shalt  }
0x4c: {  	_ =	shalt  }
0x4d: {  	_ =	shalt  }
0x4e: {  	_ =	shalt  }
0x4f: {  	_ =	shalt  }
0x50: {  	_ =	shalt  }
0x51: {  	_ =	shalt  }
0x52: {  	_ =	shalt  }
0x53: {  	_ =	shalt  }
0x54: {  	_ =	shalt  }
0x55: {  	_ =	shalt  }
0x56: {  	_ =	shalt  }
0x57: {  	_ =	shalt  }
0x58: {  	_ =	shalt  }
0x59: {  	_ =	shalt  }
0x5a: {  	_ =	shalt  }
0x5b: {  	_ =	shalt  }
0x5c: {  	_ =	shalt  }
0x5d: {  	_ =	shalt  }
0x5e: {  	_ =	shalt  }
0x5f: {  	_ =	shalt  }
0x60: {  	_ =	shalt  }
0x61: {  	_ =	shalt  }
0x62: {  	_ =	shalt  }
0x63: {  	_ =	shalt  }
0x64: {  	_ =	shalt  }
0x65: {  	_ =	shalt  }
0x66: {  	_ =	shalt  }
0x67: {  	_ =	shalt  }
0x68: {  	_ =	shalt  }
0x69: {  	_ =	shalt  }
0x6a: {  	_ =	shalt  }
0x6b: {  	_ =	shalt  }
0x6c: {  	_ =	shalt  }
0x6d: {  	_ =	shalt  }
0x6e: {  	_ =	shalt  }
0x6f: {  	_ =	shalt  }
0x70: {  	_ =	shalt  }
0x71: {  	_ =	shalt  }
0x72: {  	_ =	shalt  }
0x73: {  	_ =	shalt  }
0x74: {  	_ =	shalt  }
0x75: {  	_ =	shalt  }
0x76: {  	_ =	shalt  }
0x77: {  	_ =	shalt  }
0x78: {  	_ =	shalt  }
0x79: {  	_ =	shalt  }
0x7a: {  	_ =	shalt  }
0x7b: {  	_ =	shalt  }
0x7c: {  	_ =	shalt  }
0x7d: {  	_ =	shalt  }
0x7e: {  	_ =	shalt  }
0x7f: {  	_ =	shalt  }
0x80: {  	_ =	shalt  }
0x81: {  	_ =	shalt  }
0x82: {  	_ =	shalt  }
0x83: {  	_ =	shalt  }
0x84: {  	_ =	shalt  }
0x85: {  	_ =	shalt  }
0x86: {  	_ =	shalt  }
0x87: {  	_ =	shalt  }
.Lfunc_end0:
.L_simem_size_0:
called_computation_lowered:
.L_overlay_start_0:
0x88: {  	s2 =	sld [smem:$0x3FD9]  }
0x89: {  	s3 =	sld [smem:$0x3FFE];
	_ =	sdelay $0x1  }
0x8a: {  	s1 =	srdreg.scid  }
0x8b: {  	s0 =	sand.u32 $0x1, s1  }
0x8c: {  	s17 =	sshll.u32 s0, $0xA;
	s2 =	sadd.s32 s3, s2  }
0x8d: {  	s2 =	sadd.s32 s2, s17  }
0x8e: {  	[smem:$0x3FC5] =	sst s2  }
0x8f: {  	_ = 	snop  }
0x90: {  	s2 =	sld [smem:$0x3FC9]  }
0x91: {  	s18 =	sld [smem:$0x3FC8]  }
0x92: {  	s4 =	sld [smem:$0x3FD0];
	(tm) =	ssettm $0x1  }
0x93: {  	s5 =	sld [smem:$0x3FFB];
	_ =	sdelay $0x3  }
0x94: {  	_ =	strace s5  }
0x95: {  	s5 =	sld [smem:$0x3FFC];
	_ =	sdelay $0x3  }
0x96: {  	_ =	strace s5  }
0x97: {  	s5 =	sld [smem:$0x3FFD];
	_ =	sdelay $0x3  }
0x98: {  	_ =	strace s5  }
0x99: {  	_ =	strace $0x8FFFFFFF  }
0x9a: {  	s19 =	sld [smem:$0x3FDB];
	_ =	sdelay $0x1  }
0x9b: {  	s6 =	simm.s32 $_scs_section_size  }
0x9c: {  	s7 =	simm.s32 $_size__tile_overlayer_lowered;
	s8 =	simm.s32 $_tile_overlayer_lowered  }
0x9d: {  	s22 =	simm.s32 $0x1BFF;
	s21 =	sshll.u32 s8, $0x1;
	s5 =	sadd.s32 s6, s19  }
0x9e: {  	s9 =	simm.s32 $0x0;
	s20 =	sshll.u32 s7, $0x1;
	s7 =	sadd.s32 s21, s5  }
0x9f: {  	[timem:s9], [sflag:s22] =	dma.local [hbm:s7], s20  }
0xa0: {  	_ =	swait.ge [sflag:s22], s20  }
0xa1: {  	s6 =	ssub.s32 $0x0, s20;
	[sflag:s22] =	ssyncset.done $0x0  }
0xa2: {  	[sflag:s22] =	ssyncadd.s32 s6;
	_ =	sdelay $0x1  }
0xa3: {  	s23 =	simm.s32 $0x1B8B  }
0xa4: {  	_ =	swait.ge [sflag:s23], $0x1  }
0xa5: {  	[sflag:s23] =	ssyncset.done $0x0  }
0xa6: {  	s25 =	simm.s32 $0x1B8E;
	s24 =	sld [smem:$0x3FFE];
	[sflag:s23] =	ssyncadd.s32 $0xFFFFFFFF  }
0xa7: {  	s26 =	simm.s32 $execute0_lowered;
	[smem:$0x3FD2] =	sst s25  }
0xa8: {  	s7 =	sshll.u32 s26, $0x1;
	_ =	strace $0x80000046;
	[dreg:$0x1] =	wrdreg $0xFFFFFFFF  }
0xa9: {  	s28 =	simm.s32 $_size_execute0_lowered;
	s5 =	sadd.s32 s5, s7;
	[dreg:$0x0] =	wrdreg $0x0  }
0xaa: {  	s7 =	sshll.u32 s28, $0x1;
	[dreg:$0x2] =	wrdreg s5  }
0xab: {  	[dreg:$0x3] =	wrdreg s7  }
0xac: {  	[dreg:$0x4] =	wrdreg $0xC0  }
0xad: {  	_ =	task [dreg:s9], $0x5FFFF  }
0xae: {  	[dreg:$0x1] =	wrdreg $0xFFFFFFFF  }
0xaf: {  	[dreg:$0x0] =	wrdreg $0x60  }
0xb0: {  	[dreg:$0x2] =	wrdreg s2  }
0xb1: {  	[dreg:$0x3] =	wrdreg s18  }
0xb2: {  	[dreg:$0x4] =	wrdreg s24  }
0xb3: {  	[dreg:$0x5] =	wrdreg s4  }
0xb4: {  	[dreg:$0x6] =	wrdreg $0x9  }
0xb5: {  	_ =	task.clear_ibuf [dreg:s9], $0x7FFFF;
	_ =	strace $0x90000046  }
0xb6: {  	s29 =	simm.s32 $0x9;
	_ =	strace $0x80000048  }
0xb7: {  	_ =	swait.ge [sflag:s29], $0x1  }
0xb8: {  	[sflag:s29] =	ssyncadd.s32 $0xFFFFFFFF  }
0xb9: {  	_ =	strace $0x90000048  }
0xba: {  	_ =	sfence  }
0xbb: {  	s30 =	sld [smem:$0x0];
	_ =	sdelay $0x2  }
0xbc: {  	s31 =	sshll.u32 s1, $0xD;
	s1 =	sshrl.u32 s1, $0x2  }
0xbd: {  	s3 =	sand.u32 $0x4000, s31;
	s1 =	sadd.s32 s1, s30  }
0xbe: {  	s0 =	sor.u32 s3, s0;
	s1 =	sshll.u32 s1, $0x11  }
0xbf: {  	s0 =	sor.u32 s1, s0  }
0xc0: {  	s0 =	sadd.s32 $0x8F2B, s0  }
0xc1: {  	[sflag:s0] =	ssyncadd.remote.s32 $0x1  }
0xc2: {  	_ =	sfence.sel $0xFFFF  }
0xc3: {  	[dreg:$0x0] =	wrdreg $0xFFFFFFFF;
	(pc) =	sbr.abs _section_cstart, $3  }
0xc4: {  	[dreg:$0x1] =	wrdreg $0xFFFFFFFF  }
0xc5: {  	_ =	task.clear_ibuf [dreg:s9], $0x2FFFF;
	_ =	strace $0x9FFFFFFF  }
0xc6: {  	(tm) =	ssettm $0x7FFFFFFF  }
0xc7: {  	_ =	shalt  }
tec
execute0_lowered:
.L_overlay_start_1:
0x0: {  	(tag) =	ssettag $0x1  }
0x1: {  	s1 =	rddreg [dreg:$0x0]  }
0x2: {  	s2 =	rddreg [dreg:$0x1]  }
0x3: {  	s5 =	rddreg [dreg:$0x2]  }
0x4: {  	s3 =	rddreg [dreg:$0x3]  }
0x5: {  	s0 =	rddreg [dreg:$0x4];
	s4 =	simm.s32 $0x0  }
0x6: {  	s6 =	srdreg.scid;
	s10 =	simm.s32 $0x5;
	s11 =	simm.s32 $0x10000  }
0x7: {  	s12 =	simm.s32 $0x1;
	s13 =	simm.s32 $0x10400;
	s14 =	simm.s32 $0x12400  }
0x8: {  	s15 =	simm.s32 $0x2;
	s16 =	simm.s32 $0x3;
	s17 =	simm.s32 $0x4  }
.Ltmp0:
0x9: {  	s18 =	simm.s32 $0x0;
	s7 =	sand.u32 $0x1, s6;
	(pc) =	sbr.rel .LBB2_1-.Ltmp0, $4  }
0xa: {  	[smem:$0x7FF] =	sst s4;
	s6 =	sadd.s32 $0x400, s5;
	s8 =	ssub.s32 $0x2, s7  }
0xb: {  	s5 =	stileid.u32;
	_ =	strace $0x80000047;
	s9 =	sshrl.u32 s8, $0x1  }
0xc: {  	s31 =	sshll.u32 s5, $0x3;
	s7 =	sshll.u32 s7, $0x2;
	s9 =	ssub.s32 s8, s9  }
0xd: {  	s7 =	sor.u32 s7, s31;
	s8 =	sadd.s32 $0x400, s1;
	s9 =	smax.u32 s9, $0x1  }
.LBB2_12:
0xe: {  	s18 =	sadd.s32 $0x1, s18  }
0xf: {  	p0 =	sne.s32 s18, s9  }
.Ltmp1:
0x10: {  	_ = 	snop;
	(pc) =	sbr.rel @!p0 .LBB2_13-.Ltmp1, $1  }
0x11: {  	_ =	sdelay $0x3  }
.LBB2_1:
.Ltmp2:
0x12: {  	(pc) =	sbr.rel .LBB2_2-.Ltmp2, $2  }
0x13: {  	_ =	sdelay $0x2  }
0x14: {  	s19 =	simm.s32 $0x0  }
.LBB2_11:
0x15: {  	s19 =	sadd.s32 $0x1, s19  }
0x16: {  	_ =	swait.ge [sflag:s16], $0x2000;
	p0 =	sne.s32 s19, $0x4  }
.Ltmp3:
0x17: {  	[sflag:s16] =	ssyncset.done $0x0;
	(pc) =	sbr.rel @!p0 .LBB2_12-.Ltmp3, $4  }
0x18: {  	[sflag:s16] =	ssyncadd.s32 $0xFFFFE000  }
0x19: {  	_ =	swait.ge [sflag:s17], $0x2000  }
0x1a: {  	[sflag:s17] =	ssyncset.done $0x0  }
0x1b: {  	[sflag:s17] =	ssyncadd.s32 $0xFFFFE000  }
.LBB2_2:
0x1c: {  	s20 =	simm.s32 $0x0;
	s21 =	sadd.s32 s7, s19  }
0x1d: {  	[tilespmem:s20], [sflag:$0x5] =	stream.linear.gather [hbm4b:s2+s20], $0x10000, $0x38;
	[tilespmem:$0x18400] =	vst v63  }
0x1e: {  	s23 =	simm.s32 $0x0;
	s28 =	simm.s32 $0x0;
	_ =	swait.ge [sflag:s10], $0x10000  }
0x1f: {  	s25 =	simm.s32 $0x0;
	s22 =	sshll.u32 s21, $0x7;
	[sflag:s10] =	ssyncset.done $0x0  }
0x20: {  	s24 =	sand.u32 $0x4, s23;
	s22 =	sadd.s32 s6, s22;
	[sflag:s10] =	ssyncadd.s32 $0xFFFF0000  }
0x21: {  	[tilespmem:s11], [sflag:$0x5] =	stream.linear.gather [hbm4b:s22+s20], $0x400, $0x38;
	[tilespmem:$0x18400] =	vst v63  }
0x22: {  	s29 =	sand.u32 $0x1, s25;
	s22 =	sor.u32 s24, s28  }
0x23: {  	p1 =	seq.s32 s29, $0x1;
	p0 =	seq.s32 s22, $0x0  }
0x24: {  	p0 =	por !p1, !p0  }
0x25: {  	s22 =	simm.s32 $0x1;
	p0 =	por !p0, !p0  }
0x26: {  	s22 =	simm.s32 @!p0 $0x0  }
0x27: {  	_ =	swait.ge [sflag:s10], $0x400;
	s30 =	ssub.s32 $0x0, s22  }
0x28: {  	s31 =	sand.u32 $0x40, s20;
	[sflag:s10] =	ssyncset.done $0x0;
	s24 =	sshll.u32 s30, $0x9  }
0x29: {  	[sflag:s10] =	ssyncadd.s32 $0xFFFFFC00;
	s22 =	simm.s32 $0x100;
	s24 =	sshra.s32 s24, $0x2  }
0x2a: {  	v1 =	vld [tilespmem:s22+$0xFFFFFF50];
	s24 =	sor.u32 s31, s24  }
0x2b: {  	v2 =	vld [tilespmem:s24+$0x10000]  }
0x2c: {  	v3 =	vld [tilespmem:s22+$0xFFFFFF20]  }
0x2d: {  	v4 =	vld [tilespmem:s22+$0xFFFFFF10]  }
0x2e: {  	v0 =	vld [tilespmem:s22+$0xFFFFFF70]  }
0x2f: {  	v5 =	vld [tilespmem:s22+$0xFFFFFF00]  }
0x30: {  	v6 =	vld [tilespmem:s22+$0xFFFFFF40];
	v1 =	vadd.f32 v1, v2  }
0x31: {  	v7 =	vld [tilespmem:s22+$0xFFFFFF30];
	v3 =	vadd.f32 v3, v2  }
0x32: {  	v8 =	vld [tilespmem:s22+$0xFFFFFF60];
	v4 =	vadd.f32 v4, v2;
	[tilespmem:s22+$0xFFFFFF50] =	vst v1  }
0x33: {  	v0 =	vadd.f32 v0, v2;
	[tilespmem:s22+$0xFFFFFF20] =	vst v3  }
0x34: {  	v1 =	vadd.f32 v5, v2;
	[tilespmem:s22+$0xFFFFFF10] =	vst v4  }
0x35: {  	v3 =	vadd.f32 v6, v2;
	[tilespmem:s22+$0xFFFFFF70] =	vst v0  }
0x36: {  	s26 =	simm.s32 $0x40;
	s25 =	sand.u32 $0xE00, s20;
	[tilespmem:s22+$0xFFFFFF00] =	vst v1;
	v1 =	vadd.f32 v7, v2  }
0x37: {  	s26 =	sand.u32 $0x140, s26;
	s24 =	sshrl.u32 s25, $0x2;
	[tilespmem:s22+$0xFFFFFF40] =	vst v3;
	v2 =	vadd.f32 v8, v2  }
0x38: {  	s29 =	sshrl.u32 s26, $0x2;
	s28 =	sor.u32 $0x10000, s24;
	[tilespmem:s22+$0xFFFFFF30] =	vst v1  }
0x39: {  	s24 =	sor.u32 s29, s28;
	[tilespmem:s22+$0xFFFFFF60] =	vst v2;
	v1 =	vld [tilespmem:s22+$0xFFFFFF80]  }
0x3a: {  	v2 =	vld [tilespmem:s24+$0x0]  }
0x3b: {  	v3 =	vld [tilespmem:s22+$0xFFFFFFB0]  }
0x3c: {  	v0 =	vld [tilespmem:s22+$0xFFFFFF90]  }
0x3d: {  	v4 =	vld [tilespmem:s22+$0xFFFFFFC0]  }
0x3e: {  	v5 =	vld [tilespmem:s22+$0xFFFFFFF0]  }
0x3f: {  	v6 =	vld [tilespmem:s22+$0xFFFFFFA0];
	v1 =	vadd.f32 v1, v2  }
0x40: {  	v7 =	vld [tilespmem:s22+$0xFFFFFFE0];
	v3 =	vadd.f32 v3, v2  }
0x41: {  	v8 =	vld [tilespmem:s22+$0xFFFFFFD0];
	v0 =	vadd.f32 v0, v2;
	[tilespmem:s22+$0xFFFFFF80] =	vst v1  }
0x42: {  	v1 =	vadd.f32 v4, v2;
	[tilespmem:s22+$0xFFFFFFB0] =	vst v3  }
0x43: {  	v3 =	vadd.f32 v5, v2;
	[tilespmem:s22+$0xFFFFFF90] =	vst v0  }
0x44: {  	v4 =	vadd.f32 v6, v2;
	[tilespmem:s22+$0xFFFFFFC0] =	vst v1  }
0x45: {  	s30 =	simm.s32 $0x80;
	v1 =	vadd.f32 v7, v2;
	[tilespmem:s22+$0xFFFFFFF0] =	vst v3  }
0x46: {  	s24 =	sand.u32 $0x180, s30;
	v3 =	vadd.f32 v8, v2;
	[tilespmem:s22+$0xFFFFFFA0] =	vst v4  }
0x47: {  	s24 =	sshrl.u32 s24, $0x2;
	v0 =	vld [tilespmem:s22+$0x0];
	[tilespmem:s22+$0xFFFFFFE0] =	vst v1  }
0x48: {  	s24 =	sor.u32 s24, s28;
	v5 =	vld [tilespmem:s22+$0x10];
	[tilespmem:s22+$0xFFFFFFD0] =	vst v3  }
0x49: {  	v2 =	vld [tilespmem:s24+$0x0]  }
0x4a: {  	v1 =	vld [tilespmem:s22+$0x30]  }
0x4b: {  	v3 =	vld [tilespmem:s22+$0x20]  }
0x4c: {  	v4 =	vld [tilespmem:s22+$0x60]  }
0x4d: {  	v6 =	vld [tilespmem:s22+$0x50]  }
0x4e: {  	v7 =	vld [tilespmem:s22+$0x40];
	v0 =	vadd.f32 v0, v2  }
0x4f: {  	v8 =	vld [tilespmem:s22+$0x70];
	v1 =	vadd.f32 v1, v2  }
0x50: {  	v3 =	vadd.f32 v3, v2;
	[tilespmem:s22+$0x0] =	vst v0  }
0x51: {  	[tilespmem:s22+$0x30] =	vst v1;
	v1 =	vadd.f32 v4, v2  }
0x52: {  	v4 =	vadd.f32 v5, v2;
	[tilespmem:s22+$0x20] =	vst v3;
	v0 =	vld [tilespmem:s22+$0xF0]  }
0x53: {  	v3 =	vadd.f32 v6, v2;
	v6 =	vld [tilespmem:s22+$0x80];
	[tilespmem:s22+$0x60] =	vst v1  }
0x54: {  	s24 =	simm.s32 $0xC0;
	v5 =	vadd.f32 v7, v2;
	v7 =	vadd.f32 v8, v2;
	v2 =	vld [tilespmem:s22+$0xC0];
	[tilespmem:s22+$0x10] =	vst v4  }
0x55: {  	s31 =	sand.u32 $0x1C0, s24;
	v8 =	vld [tilespmem:s22+$0xB0];
	[tilespmem:s22+$0x50] =	vst v3  }
0x56: {  	s26 =	sshrl.u32 s31, $0x2;
	v1 =	vld [tilespmem:s22+$0xE0];
	[tilespmem:s22+$0x40] =	vst v5  }
0x57: {  	s25 =	sor.u32 s26, s28;
	[tilespmem:s22+$0x70] =	vst v7;
	v5 =	vld [tilespmem:s22+$0x90]  }
0x58: {  	v3 =	vld [tilespmem:s25+$0x0]  }
0x59: {  	v4 =	vld [tilespmem:s22+$0xA0]  }
0x5a: {  	s26 =	simm.s32 $0x300;
	v7 =	vld [tilespmem:s22+$0xD0];
	s25 =	simm.s32 $0x40  }
.LBB2_3:
0x5b: {  	s23 =	sadd.s32 $0x4, s23;
	s24 =	sadd.s32 $0x100, s24;
	s20 =	sadd.s32 $0x20, s20  }
0x5c: {  	s28 =	sshrl.u32 s23, $0x6;
	s29 =	sand.u32 $0x4, s23;
	s30 =	sshrl.u32 s23, $0x2  }
0x5d: {  	p0 =	slt.u32 s23, $0x1FC;
	s29 =	sor.u32 s29, s28;
	s30 =	sand.u32 $0x1, s30;
	v6 =	vadd.f32 v6, v3;
	v5 =	vadd.f32 v5, v3  }
0x5e: {  	v4 =	vadd.f32 v4, v3;
	p1 =	seq.s32 s29, $0x0;
	p2 =	seq.s32 s30, $0x1;
	v8 =	vadd.f32 v8, v3  }
0x5f: {  	v2 =	vadd.f32 v2, v3;
	p1 =	por !p2, !p1;
	[tilespmem:s22+$0x80] =	vst v6;
	v6 =	vadd.f32 v7, v3  }
0x60: {  	v1 =	vadd.f32 v1, v3;
	v0 =	vadd.f32 v0, v3;
	s29 =	simm.s32 $0x1;
	p1 =	por !p1, !p1;
	[tilespmem:s22+$0xA0] =	vst v4  }
0x61: {  	s29 =	simm.s32 @!p1 $0x0;
	v3 =	vld [tilespmem:s26+$0xFFFFFF70];
	[tilespmem:s22+$0xB0] =	vst v8  }
0x62: {  	s28 =	ssub.s32 s28, s29;
	v4 =	vld [tilespmem:s26+$0xFFFFFF10];
	[tilespmem:s22+$0xC0] =	vst v2  }
0x63: {  	s28 =	sshll.u32 s28, $0x9;
	v2 =	vld [tilespmem:s26+$0xFFFFFF30];
	[tilespmem:s22+$0xD0] =	vst v6  }
0x64: {  	s29 =	sand.u32 $0x40, s25;
	s28 =	sshra.s32 s28, $0x2;
	v6 =	vld [tilespmem:s26+$0xFFFFFF50];
	[tilespmem:s22+$0xE0] =	vst v1  }
0x65: {  	s28 =	sor.u32 s29, s28;
	v7 =	vld [tilespmem:s26+$0xFFFFFF00];
	[tilespmem:s22+$0xF0] =	vst v0  }
0x66: {  	v8 =	vld [tilespmem:s26+$0xFFFFFF20];
	[tilespmem:s22+$0x90] =	vst v5;
	s22 =	smov.u32 s26  }
0x67: {  	v5 =	vld [tilespmem:s28+$0x10000]  }
0x68: {  	v9 =	vld [tilespmem:s26+$0xFFFFFF40]  }
0x69: {  	v10 =	vld [tilespmem:s26+$0xFFFFFF60]  }
0x6a: {  	v0 =	vld [tilespmem:s26+$0xF0]  }
0x6b: {  	v1 =	vld [tilespmem:s26+$0xE0]  }
0x6c: {  	v8 =	vadd.f32 v8, v5;
	v6 =	vadd.f32 v6, v5  }
0x6d: {  	v4 =	vadd.f32 v4, v5;
	v9 =	vadd.f32 v9, v5  }
0x6e: {  	v3 =	vadd.f32 v3, v5;
	[tilespmem:s26+$0xFFFFFF50] =	vst v6;
	v6 =	vadd.f32 v10, v5  }
0x6f: {  	v7 =	vadd.f32 v7, v5;
	v2 =	vadd.f32 v2, v5;
	[tilespmem:s26+$0xFFFFFF20] =	vst v8  }
0x70: {  	[tilespmem:s26+$0xFFFFFF10] =	vst v4  }
0x71: {  	[tilespmem:s26+$0xFFFFFF00] =	vst v7;
	v4 =	vld [tilespmem:s26+$0xFFFFFFF0]  }
0x72: {  	s29 =	sadd.s32 $0xFFFFFF80, s24;
	s28 =	sand.u32 $0xE00, s20;
	[tilespmem:s26+$0xFFFFFF40] =	vst v9;
	v5 =	vld [tilespmem:s26+$0xFFFFFFD0]  }
0x73: {  	s29 =	sand.u32 $0x140, s29;
	s28 =	sshrl.u32 s28, $0x2;
	[tilespmem:s26+$0xFFFFFF30] =	vst v2;
	v2 =	vld [tilespmem:s26+$0xFFFFFFB0]  }
0x74: {  	s29 =	sshrl.u32 s29, $0x2;
	s28 =	sor.u32 $0x10000, s28;
	[tilespmem:s26+$0xFFFFFF70] =	vst v3;
	v3 =	vld [tilespmem:s26+$0xFFFFFF90]  }
0x75: {  	s29 =	sor.u32 s29, s28;
	[tilespmem:s26+$0xFFFFFF60] =	vst v6;
	v6 =	vld [tilespmem:s26+$0xFFFFFF80]  }
0x76: {  	v7 =	vld [tilespmem:s29+$0x0]  }
0x77: {  	v8 =	vld [tilespmem:s26+$0xFFFFFFA0]  }
0x78: {  	v9 =	vld [tilespmem:s26+$0xFFFFFFC0]  }
0x79: {  	v10 =	vld [tilespmem:s26+$0xFFFFFFE0];
	_ =	sdelay $0x1  }
0x7a: {  	v6 =	vadd.f32 v6, v7;
	v3 =	vadd.f32 v3, v7  }
0x7b: {  	v2 =	vadd.f32 v2, v7;
	v8 =	vadd.f32 v8, v7  }
0x7c: {  	v5 =	vadd.f32 v5, v7;
	[tilespmem:s26+$0xFFFFFF80] =	vst v6;
	v6 =	vadd.f32 v9, v7  }
0x7d: {  	v4 =	vadd.f32 v4, v7;
	[tilespmem:s26+$0xFFFFFFB0] =	vst v2;
	v2 =	vadd.f32 v10, v7  }
0x7e: {  	[tilespmem:s26+$0xFFFFFFC0] =	vst v6  }
0x7f: {  	[tilespmem:s26+$0xFFFFFFF0] =	vst v4;
	v4 =	vld [tilespmem:s26+$0x70]  }
0x80: {  	s29 =	sadd.s32 $0xFFFFFFC0, s24;
	[tilespmem:s26+$0xFFFFFFA0] =	vst v8;
	v6 =	vld [tilespmem:s26+$0x50]  }
0x81: {  	s29 =	sand.u32 $0x180, s29;
	[tilespmem:s26+$0xFFFFFF90] =	vst v3;
	v3 =	vld [tilespmem:s26+$0x30]  }
0x82: {  	s29 =	sshrl.u32 s29, $0x2;
	[tilespmem:s26+$0xFFFFFFE0] =	vst v2;
	v2 =	vld [tilespmem:s26+$0x10]  }
0x83: {  	s29 =	sor.u32 s29, s28;
	[tilespmem:s26+$0xFFFFFFD0] =	vst v5;
	v5 =	vld [tilespmem:s26+$0x0]  }
0x84: {  	v7 =	vld [tilespmem:s29+$0x0]  }
0x85: {  	v8 =	vld [tilespmem:s26+$0x20]  }
0x86: {  	v9 =	vld [tilespmem:s26+$0x40]  }
0x87: {  	v10 =	vld [tilespmem:s26+$0x60];
	_ =	sdelay $0x1  }
0x88: {  	v5 =	vadd.f32 v5, v7;
	v2 =	vadd.f32 v2, v7  }
0x89: {  	v3 =	vadd.f32 v3, v7;
	v8 =	vadd.f32 v8, v7  }
0x8a: {  	v6 =	vadd.f32 v6, v7;
	[tilespmem:s26+$0x0] =	vst v5;
	v5 =	vadd.f32 v9, v7  }
0x8b: {  	[tilespmem:s26+$0x30] =	vst v3;
	v3 =	vadd.f32 v10, v7;
	v7 =	vadd.f32 v4, v7  }
0x8c: {  	[tilespmem:s26+$0x20] =	vst v8  }
0x8d: {  	[tilespmem:s26+$0x60] =	vst v3  }
0x8e: {  	[tilespmem:s26+$0x10] =	vst v2;
	v2 =	vld [tilespmem:s26+$0xC0]  }
0x8f: {  	s29 =	sand.u32 $0x1C0, s24;
	[tilespmem:s26+$0x50] =	vst v6;
	v4 =	vld [tilespmem:s26+$0xA0]  }
.Ltmp4:
0x90: {  	s29 =	sshrl.u32 s29, $0x2;
	[tilespmem:s26+$0x40] =	vst v5;
	v6 =	vld [tilespmem:s26+$0x80];
	(pc) =	sbr.rel @p0 .LBB2_3-.Ltmp4, $4  }
0x91: {  	s28 =	sor.u32 s29, s28;
	[tilespmem:s26+$0x70] =	vst v7;
	v5 =	vld [tilespmem:s26+$0x90]  }
0x92: {  	v3 =	vld [tilespmem:s28+$0x0]  }
0x93: {  	v8 =	vld [tilespmem:s26+$0xB0]  }
0x94: {  	s25 =	sadd.s32 $0x40, s25;
	s26 =	sadd.s32 $0x200, s26;
	v7 =	vld [tilespmem:s22+$0xD0]  }
0x95: {  	_ =	sdelay $0x1  }
0x96: {  	v6 =	vadd.f32 v6, v3  }
0x97: {  	v4 =	vadd.f32 v4, v3  }
0x98: {  	v2 =	vadd.f32 v2, v3;
	[tilespmem:s22+$0x80] =	vst v6  }
0x99: {  	v1 =	vadd.f32 v1, v3;
	[tilespmem:s22+$0xA0] =	vst v4  }
0x9a: {  	v0 =	vadd.f32 v0, v3;
	[tilespmem:s22+$0xC0] =	vst v2  }
0x9b: {  	v63 =	vadd.f32 v5, v3;
	[tilespmem:s22+$0xE0] =	vst v1  }
0x9c: {  	v8 =	vadd.f32 v8, v3;
	[tilespmem:s22+$0xF0] =	vst v0  }
0x9d: {  	v62 =	vadd.f32 v7, v3;
	[tilespmem:s22+$0x90] =	vst v63  }
0x9e: {  	s23 =	sshll.u32 s21, $0xF;
	[tilespmem:s22+$0xB0] =	vst v8  }
0x9f: {  	s20 =	simm.s32 $0x0;
	s21 =	sshll.u32 s21, $0x12;
	s30 =	sadd.s32 s1, s23;
	[tilespmem:s22+$0xD0] =	vst v62  }
0xa0: {  	[tilespmem:s13], [sflag:$0x1] =	stream.linear.gather [hbm4b:s30+s20], $0x2000, $0x38;
	[tilespmem:$0x18400] =	vst v63  }
0xa1: {  	s31 =	sadd.s32 s23, s8;
	s23 =	simm.s32 $0x0;
	s22 =	simm.s32 $0x0  }
0xa2: {  	[tilespmem:s14], [sflag:$0x2] =	stream.linear.gather [hbm4b:s31+s20], $0x2000, $0x38;
	[tilespmem:$0x18400] =	vst v63  }
.LBB2_5:
0xa3: {  	_ =	swait.ge [sflag:s12], $0x2000  }
0xa4: {  	p0 =	seq.s32 s23, $0x0;
	[sflag:s12] =	ssyncset.done $0x0  }
0xa5: {  	s24 =	simm.s32 @!p0 $0x3;
	[sflag:s12] =	ssyncadd.s32 $0xFFFFE000  }
0xa6: {  	_ =	swait.ge @!p0 [sflag:s24], $0x2000  }
0xa7: {  	s25 =	sand.u32 $0x3, s22;
	[sflag:s24] =	ssyncset.done @!p0 $0x0  }
0xa8: {  	s29 =	simm.s32 $0x10440;
	s25 =	sshll.u32 s25, $0xE;
	[sflag:s24] =	ssyncadd.s32 @!p0 $0xFFFFE000  }
0xa9: {  	s26 =	sor.u32 $0x40, s25;
	v0 =	vld [tilespmem:s29+$0xFFFFFFC0]  }
0xaa: {  	v1 =	vld [tilespmem:s26+$0xFFFFFFC0];
	_ =	sdelay $0x4  }
0xab: {  	v0 =	vadd.f32 v1, v0  }
0xac: {  	s28 =	simm.s32 $0x14440  }
0xad: {  	[tilespmem:s28+$0xFFFFFFC0] =	vst v0  }
0xae: {  	v0 =	vld [tilespmem:s26+$0xFFFFFFD0]  }
0xaf: {  	v1 =	vld [tilespmem:s29+$0xFFFFFFD0];
	_ =	sdelay $0x4  }
0xb0: {  	v0 =	vadd.f32 v0, v1;
	_ =	sdelay $0x1  }
0xb1: {  	[tilespmem:s28+$0xFFFFFFD0] =	vst v0  }
0xb2: {  	v0 =	vld [tilespmem:s29+$0xFFFFFFE0]  }
0xb3: {  	v1 =	vld [tilespmem:s26+$0xFFFFFFE0];
	_ =	sdelay $0x4  }
0xb4: {  	v0 =	vadd.f32 v1, v0;
	_ =	sdelay $0x1  }
0xb5: {  	[tilespmem:s28+$0xFFFFFFE0] =	vst v0  }
0xb6: {  	v0 =	vld [tilespmem:s29+$0xFFFFFFF0]  }
0xb7: {  	v1 =	vld [tilespmem:s26+$0xFFFFFFF0];
	_ =	sdelay $0x4  }
0xb8: {  	v0 =	vadd.f32 v1, v0;
	_ =	sdelay $0x1  }
0xb9: {  	[tilespmem:s28+$0xFFFFFFF0] =	vst v0  }
0xba: {  	v0 =	vld [tilespmem:s29+$0x0]  }
0xbb: {  	v1 =	vld [tilespmem:s26+$0x0];
	_ =	sdelay $0x4  }
0xbc: {  	v0 =	vadd.f32 v1, v0;
	_ =	sdelay $0x1  }
0xbd: {  	[tilespmem:s28+$0x0] =	vst v0  }
0xbe: {  	v0 =	vld [tilespmem:s29+$0x10]  }
0xbf: {  	v1 =	vld [tilespmem:s26+$0x10];
	_ =	sdelay $0x4  }
0xc0: {  	v0 =	vadd.f32 v1, v0;
	_ =	sdelay $0x1  }
0xc1: {  	[tilespmem:s28+$0x10] =	vst v0  }
0xc2: {  	v0 =	vld [tilespmem:s29+$0x20]  }
0xc3: {  	v1 =	vld [tilespmem:s26+$0x20];
	_ =	sdelay $0x4  }
0xc4: {  	v0 =	vadd.f32 v1, v0  }
0xc5: {  	s30 =	simm.s32 $0x0;
	s25 =	sand.u32 $0x7, s20  }
0xc6: {  	s31 =	simm.s32 $0x104C0;
	s24 =	sshll.u32 s25, $0xD;
	s25 =	sshll.u32 s23, $0xE;
	[tilespmem:s28+$0x20] =	vst v0  }
0xc7: {  	s24 =	sadd.s32 $0x2070, s24;
	s25 =	sor.u32 s21, s25;
	v0 =	vld [tilespmem:s29+$0x30];
	s29 =	simm.s32 $0x14440  }
.LBB2_6:
0xc8: {  	s30 =	sadd.s32 $0x8, s30;
	v1 =	vld [tilespmem:s26+$0x30];
	s26 =	sadd.s32 $0x80, s26;
	s28 =	sadd.s32 $0x80, s28  }
0xc9: {  	p1 =	slt.u32 s30, $0x1F8;
	_ =	sdelay $0x3  }
0xca: {  	v0 =	vadd.f32 v1, v0;
	_ =	sdelay $0x1  }
0xcb: {  	[tilespmem:s29+$0x30] =	vst v0;
	s29 =	smov.u32 s28  }
0xcc: {  	v0 =	vld [tilespmem:s31+$0xFFFFFFC0]  }
0xcd: {  	v1 =	vld [tilespmem:s26+$0xFFFFFFC0];
	_ =	sdelay $0x4  }
0xce: {  	v0 =	vadd.f32 v1, v0;
	_ =	sdelay $0x1  }
0xcf: {  	[tilespmem:s28+$0xFFFFFFC0] =	vst v0  }
0xd0: {  	v0 =	vld [tilespmem:s26+$0xFFFFFFD0]  }
0xd1: {  	v1 =	vld [tilespmem:s31+$0xFFFFFFD0];
	_ =	sdelay $0x4  }
0xd2: {  	v0 =	vadd.f32 v0, v1;
	_ =	sdelay $0x1  }
0xd3: {  	[tilespmem:s28+$0xFFFFFFD0] =	vst v0  }
0xd4: {  	v0 =	vld [tilespmem:s31+$0xFFFFFFE0]  }
0xd5: {  	v1 =	vld [tilespmem:s26+$0xFFFFFFE0];
	_ =	sdelay $0x4  }
0xd6: {  	v0 =	vadd.f32 v1, v0;
	_ =	sdelay $0x1  }
0xd7: {  	[tilespmem:s28+$0xFFFFFFE0] =	vst v0  }
0xd8: {  	v0 =	vld [tilespmem:s31+$0xFFFFFFF0]  }
0xd9: {  	v1 =	vld [tilespmem:s26+$0xFFFFFFF0];
	_ =	sdelay $0x4  }
0xda: {  	v0 =	vadd.f32 v1, v0;
	_ =	sdelay $0x1  }
0xdb: {  	[tilespmem:s28+$0xFFFFFFF0] =	vst v0  }
0xdc: {  	v0 =	vld [tilespmem:s31+$0x0]  }
0xdd: {  	v1 =	vld [tilespmem:s26+$0x0];
	_ =	sdelay $0x4  }
0xde: {  	v0 =	vadd.f32 v1, v0;
	_ =	sdelay $0x1  }
0xdf: {  	[tilespmem:s28+$0x0] =	vst v0  }
0xe0: {  	v0 =	vld [tilespmem:s31+$0x10]  }
0xe1: {  	v1 =	vld [tilespmem:s26+$0x10];
	_ =	sdelay $0x4  }
0xe2: {  	v0 =	vadd.f32 v1, v0;
	_ =	sdelay $0x1  }
0xe3: {  	[tilespmem:s28+$0x10] =	vst v0  }
0xe4: {  	v0 =	vld [tilespmem:s31+$0x20]  }
0xe5: {  	v1 =	vld [tilespmem:s26+$0x20];
	_ =	sdelay $0x3  }
.Ltmp5:
0xe6: {  	(pc) =	sbr.rel @p1 .LBB2_6-.Ltmp5, $3  }
0xe7: {  	v0 =	vadd.f32 v1, v0;
	_ =	sdelay $0x1  }
0xe8: {  	[tilespmem:s28+$0x20] =	vst v0  }
0xe9: {  	v0 =	vld [tilespmem:s31+$0x30];
	s31 =	sadd.s32 $0x80, s31  }
0xea: {  	v1 =	vld [tilespmem:s26+$0x30];
	_ =	sdelay $0x4  }
0xeb: {  	v0 =	vadd.f32 v1, v0  }
0xec: {  	s31 =	sshrl.u32 s25, $0x3  }
0xed: {  	p1 =	seq.s32 s23, $0xF;
	s26 =	sadd.s32 s3, s31;
	[tilespmem:s29+$0x30] =	vst v0  }
0xee: {  	[hbm4b:s26+s4] =	stream.linear.scatter [tilespmem:s13], [sflag:$0x3], $0x2000, $0x38;
	[tilespmem:$0x18400] =	vst v63  }
0xef: {  	s26 =	sshrl.u32 @!p1 s25, $0x3  }
0xf0: {  	s26 =	sadd.s32 @!p1 s1, s26  }
0xf1: {  	s28 =	simm.s32 @!p1 $0x0;
	s29 =	simm.s32 @!p1 $0x10400;
	s26 =	sadd.s32 @!p1 $0x800, s26  }
0xf2: {  	[tilespmem:s29], [sflag:$0x1] =	stream.linear.gather @!p1 [hbm4b:s26+s28], $0x2000, $0x38;
	[tilespmem:$0x18400] =	vst v63  }
0xf3: {  	_ =	swait.ge [sflag:s15], $0x2000  }
0xf4: {  	[sflag:s15] =	ssyncset.done $0x0  }
0xf5: {  	s26 =	simm.s32 @!p0 $0x4;
	[sflag:s15] =	ssyncadd.s32 $0xFFFFE000  }
0xf6: {  	_ =	swait.ge @!p0 [sflag:s26], $0x2000  }
0xf7: {  	[sflag:s26] =	ssyncset.done @!p0 $0x0  }
0xf8: {  	s28 =	simm.s32 $0x12440;
	[sflag:s26] =	ssyncadd.s32 @!p0 $0xFFFFE000  }
0xf9: {  	v0 =	vld [tilespmem:s28+$0xFFFFFFC0]  }
0xfa: {  	v1 =	vld [tilespmem:s24+$0xFFFFFF90];
	_ =	sdelay $0x4  }
0xfb: {  	v0 =	vadd.f32 v1, v0  }
0xfc: {  	s26 =	simm.s32 $0x16440  }
0xfd: {  	[tilespmem:s26+$0xFFFFFFC0] =	vst v0  }
0xfe: {  	v0 =	vld [tilespmem:s24+$0xFFFFFFA0]  }
0xff: {  	v1 =	vld [tilespmem:s28+$0xFFFFFFD0];
	_ =	sdelay $0x4  }
0x100: {  	v0 =	vadd.f32 v0, v1;
	_ =	sdelay $0x1  }
0x101: {  	[tilespmem:s26+$0xFFFFFFD0] =	vst v0  }
0x102: {  	v0 =	vld [tilespmem:s28+$0xFFFFFFE0]  }
0x103: {  	v1 =	vld [tilespmem:s24+$0xFFFFFFB0];
	_ =	sdelay $0x4  }
0x104: {  	v0 =	vadd.f32 v1, v0;
	_ =	sdelay $0x1  }
0x105: {  	[tilespmem:s26+$0xFFFFFFE0] =	vst v0  }
0x106: {  	v0 =	vld [tilespmem:s28+$0xFFFFFFF0]  }
0x107: {  	v1 =	vld [tilespmem:s24+$0xFFFFFFC0];
	_ =	sdelay $0x4  }
0x108: {  	v0 =	vadd.f32 v1, v0;
	_ =	sdelay $0x1  }
0x109: {  	[tilespmem:s26+$0xFFFFFFF0] =	vst v0  }
0x10a: {  	v0 =	vld [tilespmem:s28+$0x0]  }
0x10b: {  	v1 =	vld [tilespmem:s24+$0xFFFFFFD0];
	_ =	sdelay $0x4  }
0x10c: {  	v0 =	vadd.f32 v1, v0;
	_ =	sdelay $0x1  }
0x10d: {  	[tilespmem:s26+$0x0] =	vst v0  }
0x10e: {  	v0 =	vld [tilespmem:s28+$0x10]  }
0x10f: {  	v1 =	vld [tilespmem:s24+$0xFFFFFFE0];
	_ =	sdelay $0x4  }
0x110: {  	v0 =	vadd.f32 v1, v0;
	_ =	sdelay $0x1  }
0x111: {  	[tilespmem:s26+$0x10] =	vst v0  }
0x112: {  	v0 =	vld [tilespmem:s28+$0x20]  }
0x113: {  	v1 =	vld [tilespmem:s24+$0xFFFFFFF0];
	_ =	sdelay $0x4  }
0x114: {  	v0 =	vadd.f32 v1, v0;
	_ =	sdelay $0x1  }
0x115: {  	s30 =	simm.s32 $0x124C0;
	[tilespmem:s26+$0x20] =	vst v0  }
0x116: {  	s25 =	sor.u32 $0x2000, s25;
	s29 =	simm.s32 $0x0;
	v0 =	vld [tilespmem:s28+$0x30];
	s28 =	simm.s32 $0x16440  }
.LBB2_8:
0x117: {  	s29 =	sadd.s32 $0x8, s29;
	v1 =	vld [tilespmem:s24+$0x0];
	s24 =	sadd.s32 $0x80, s24;
	s26 =	sadd.s32 $0x80, s26  }
0x118: {  	p0 =	slt.u32 s29, $0x1F8;
	_ =	sdelay $0x3  }
0x119: {  	v0 =	vadd.f32 v1, v0;
	_ =	sdelay $0x1  }
0x11a: {  	[tilespmem:s28+$0x30] =	vst v0;
	s28 =	smov.u32 s26  }
0x11b: {  	v0 =	vld [tilespmem:s30+$0xFFFFFFC0]  }
0x11c: {  	v1 =	vld [tilespmem:s24+$0xFFFFFF90];
	_ =	sdelay $0x4  }
0x11d: {  	v0 =	vadd.f32 v1, v0;
	_ =	sdelay $0x1  }
0x11e: {  	[tilespmem:s26+$0xFFFFFFC0] =	vst v0  }
0x11f: {  	v0 =	vld [tilespmem:s24+$0xFFFFFFA0]  }
0x120: {  	v1 =	vld [tilespmem:s30+$0xFFFFFFD0];
	_ =	sdelay $0x4  }
0x121: {  	v0 =	vadd.f32 v0, v1;
	_ =	sdelay $0x1  }
0x122: {  	[tilespmem:s26+$0xFFFFFFD0] =	vst v0  }
0x123: {  	v0 =	vld [tilespmem:s30+$0xFFFFFFE0]  }
0x124: {  	v1 =	vld [tilespmem:s24+$0xFFFFFFB0];
	_ =	sdelay $0x4  }
0x125: {  	v0 =	vadd.f32 v1, v0;
	_ =	sdelay $0x1  }
0x126: {  	[tilespmem:s26+$0xFFFFFFE0] =	vst v0  }
0x127: {  	v0 =	vld [tilespmem:s30+$0xFFFFFFF0]  }
0x128: {  	v1 =	vld [tilespmem:s24+$0xFFFFFFC0];
	_ =	sdelay $0x4  }
0x129: {  	v0 =	vadd.f32 v1, v0;
	_ =	sdelay $0x1  }
0x12a: {  	[tilespmem:s26+$0xFFFFFFF0] =	vst v0  }
0x12b: {  	v0 =	vld [tilespmem:s30+$0x0]  }
0x12c: {  	v1 =	vld [tilespmem:s24+$0xFFFFFFD0];
	_ =	sdelay $0x4  }
0x12d: {  	v0 =	vadd.f32 v1, v0;
	_ =	sdelay $0x1  }
0x12e: {  	[tilespmem:s26+$0x0] =	vst v0  }
0x12f: {  	v0 =	vld [tilespmem:s30+$0x10]  }
0x130: {  	v1 =	vld [tilespmem:s24+$0xFFFFFFE0];
	_ =	sdelay $0x4  }
0x131: {  	v0 =	vadd.f32 v1, v0;
	_ =	sdelay $0x1  }
0x132: {  	[tilespmem:s26+$0x10] =	vst v0  }
0x133: {  	v0 =	vld [tilespmem:s30+$0x20]  }
0x134: {  	v1 =	vld [tilespmem:s24+$0xFFFFFFF0];
	_ =	sdelay $0x3  }
.Ltmp6:
0x135: {  	(pc) =	sbr.rel @p0 .LBB2_8-.Ltmp6, $3  }
0x136: {  	v0 =	vadd.f32 v1, v0;
	_ =	sdelay $0x1  }
0x137: {  	[tilespmem:s26+$0x20] =	vst v0  }
0x138: {  	v0 =	vld [tilespmem:s30+$0x30];
	s30 =	sadd.s32 $0x80, s30  }
0x139: {  	v1 =	vld [tilespmem:s24+$0x0];
	_ =	sdelay $0x3  }
.Ltmp7:
0x13a: {  	_ = 	snop;
	(pc) =	sbr.rel @p1 .LBB2_11-.Ltmp7, $4  }
0x13b: {  	v0 =	vadd.f32 v1, v0  }
0x13c: {  	s24 =	sshrl.u32 s25, $0x3  }
0x13d: {  	s25 =	sadd.s32 s3, s24;
	[tilespmem:s28+$0x30] =	vst v0  }
0x13e: {  	[hbm4b:s25+s4] =	stream.linear.scatter [tilespmem:s14], [sflag:$0x4], $0x2000, $0x38;
	[tilespmem:$0x18400] =	vst v63  }
.Ltmp8:
0x13f: {  	(pc) =	sbr.rel .LBB2_5-.Ltmp8, $4  }
0x140: {  	_ = 	snop  }
0x141: {  	s24 =	sadd.s32 s1, s24;
	s23 =	sadd.s32 $0x1, s23  }
0x142: {  	s22 =	sadd.s32 $0x1, s22;
	s20 =	sadd.s32 $0x2, s20;
	s24 =	sadd.s32 $0x800, s24  }
0x143: {  	[tilespmem:s14], [sflag:$0x2] =	stream.linear.gather [hbm4b:s24+s4], $0x2000, $0x38;
	[tilespmem:$0x18400] =	vst v63  }
.LBB2_13:
0x144: {  	_ =	sfence.sel $0x180000  }
0x145: {  	[bflag:$0x0] =	sbarrier.arrive $0xFFFF  }
0x146: {  	p0 =	sne.s32 s5, $0x0;
	_ =	strace $0x90000047  }
0x147: {  	s0 =	sadd.s32 @!p0 $0x100000, s0;
	[bflag:$0x2] =	sbarrier.arrive $0xFFFF  }
0x148: {  	[sflag:s0] =	ssyncadd.tile.s32 @!p0 $0x1;
	_ =	shalt  }
.Lfunc_end2:
_tile_overlayer_lowered:
.L_overlay_start_2:
0x149: {  	(tag) =	ssettag $0x2  }
0x14a: {  	s0 =	rddreg [dreg:$0x0];
	s2 =	stileid.u32  }
0x14b: {  	s1 =	rddreg [dreg:$0x1];
	p0 =	sne.s32 s2, $0x0  }
0x14c: {  	s3 =	rddreg [dreg:$0x2];
	[bflag:$0x3] =	sbarrier.arrive $0xFFFF;
	s2 =	simm.s32 @!p0 $0x1C05  }
0x14d: {  	[timem:s3], [sflag:s2] =	dma.local @!p0 [hbm:s0], s1  }
0x14e: {  	s0 =	simm.s32 @!p0 $0x5  }
0x14f: {  	_ =	swait.ge @!p0 [sflag:s0], s1  }
0x150: {  	s1 =	ssub.s32 @!p0 $0x0, s1;
	[sflag:s0] =	ssyncset.done @!p0 $0x0  }
0x151: {  	[sflag:s0] =	ssyncadd.s32 @!p0 s1  }
0x152: {  	[bflag:$0x3] =	sbarrier.arrive $0xFFFF  }
0x153: {  	_ =	shalt  }

</sc_bundles>
